<compile_context>
chip_gen: v7x
topology: tpu7x:2x2x1
jax: 0.10.2.dev20260603
libtpu: 0.0.44.dev20260713+nightly
codegen_flags: <defaults>
</compile_context>

<pallas_src>
import functools

import jax
import jax.numpy as jnp
from jax import lax
from jax.experimental import pallas as pl
from jax.experimental.pallas import tpu as pltpu
from jax.experimental.pallas import tpu_sc as plsc

N = 10000
E = 320000
C = 32
M = 9
J = 9
H1, H2 = 64, 64
D_EDGE = 128
RESCALE = 5.0
F = M * C
W_A = 128
W_B = 128
W_C = 32

EDGE_BLK = 1280
NBLK = E // EDGE_BLK

NC = 2
NS = 16
CH = 128
NCHUNKS = E // CH
NPAD = 10240
ROWS_PER_TILE = NPAD // NS


def _edge_tc_kernel(xe_ref, wig_ref, env_ref, e3_ref, w1_ref, b1_ref, w2_ref,
                    b2_ref, w3_ref, b3_ref, outa_ref, outb_ref, outc_ref):
    xe = xe_ref[...]
    h = jax.nn.silu(jnp.dot(xe, w1_ref[...],
                            preferred_element_type=jnp.float32) + b1_ref[...])
    h = jax.nn.silu(jnp.dot(h, w2_ref[...],
                            preferred_element_type=jnp.float32) + b2_ref[...])
    emb = jnp.dot(h, w3_ref[...], preferred_element_type=jnp.float32) + b3_ref[...]
    emb3 = emb.reshape(EDGE_BLK, M, C)
    wig_s = wig_ref[...] * (env_ref[...] * (1.0 / RESCALE))
    wig3 = lax.dot_general(wig_s.astype(jnp.bfloat16), e3_ref[...],
                           (((0,), (0,)), ((), ())),
                           preferred_element_type=jnp.float32).reshape(
                               EDGE_BLK, J, M)
    out3 = jnp.einsum('bjm,bmc->bjc', wig3.astype(jnp.bfloat16),
                      emb3.astype(jnp.bfloat16),
                      preferred_element_type=jnp.float32)
    out2 = out3.reshape(EDGE_BLK, F)
    outa_ref[...] = out2[:, :W_A]
    outb_ref[...] = out2[:, W_A:W_A + W_B]
    outc_ref[:, :W_C] = out2[:, W_A + W_B:]


def _edge_messages(xe, wig3, env2, W1, b1, W2, b2, W3, b3):
    full = lambda s: pl.BlockSpec(s, lambda i: tuple(0 for _ in s))
    return pl.pallas_call(
        _edge_tc_kernel,
        grid=(NBLK,),
        in_specs=[
            pl.BlockSpec((EDGE_BLK, D_EDGE), lambda i: (i, 0)),
            pl.BlockSpec((J * M, EDGE_BLK), lambda i: (0, i)),
            pl.BlockSpec((1, EDGE_BLK), lambda i: (0, i)),
            full((J * M, J * M)),
            full((D_EDGE, H1)), full((1, H1)),
            full((H1, H2)), full((1, H2)),
            full((H2, F)), full((1, F)),
        ],
        out_specs=[pl.BlockSpec((EDGE_BLK, 128), lambda i: (i, 0)),
                   pl.BlockSpec((EDGE_BLK, 128), lambda i: (i, 0)),
                   pl.BlockSpec((EDGE_BLK, 128), lambda i: (i, 0))],
        out_shape=[jax.ShapeDtypeStruct((E, 128), jnp.float32),
                   jax.ShapeDtypeStruct((E, 128), jnp.float32),
                   jax.ShapeDtypeStruct((E, 128), jnp.float32)],
    )(xe, wig3, env2, jnp.eye(J * M, dtype=jnp.bfloat16),
      W1, b1.reshape(1, H1), W2, b2.reshape(1, H2),
      W3, b3.reshape(1, F))


def _scatter_sc_body(ma, mb, mc, dst, xa, xb, xc, outa, outb, outc,
                     idx_v, big_v, small_v, acc_big, acc_small):
    cid = lax.axis_index("c")
    wid = lax.axis_index("s")
    r0 = wid * ROWS_PER_TILE
    rows = pl.ds(r0, ROWS_PER_TILE)

    @pl.when(cid == 0)
    def _():
        pltpu.sync_copy(xa.at[rows], acc_big.at[rows])

    @pl.when(cid == 1)
    def _():
        pltpu.sync_copy(xb.at[rows], acc_big.at[rows])
        pltpu.sync_copy(xc.at[rows], acc_small.at[rows])

    plsc.subcore_barrier()

    nbase = NCHUNKS // NS
    rem = NCHUNKS % NS
    cnt = nbase + jnp.where(wid < rem, 1, 0)
    start = wid * nbase + jnp.minimum(wid, rem)

    def body(i, carry):
        e0 = (start + i) * CH
        pltpu.sync_copy(dst.at[pl.ds(e0, CH)], idx_v)

        @pl.when(cid == 0)
        def _():
            pltpu.sync_copy(ma.at[pl.ds(e0, CH)], big_v)
            pltpu.sync_copy(big_v, acc_big.at[idx_v], add=True)

        @pl.when(cid == 1)
        def _():
            pltpu.sync_copy(mb.at[pl.ds(e0, CH)], big_v)
            pltpu.sync_copy(mc.at[pl.ds(e0, CH), pl.ds(0, W_C)], small_v)
            pltpu.sync_copy(big_v, acc_big.at[idx_v], add=True)
            pltpu.sync_copy(small_v, acc_small.at[idx_v], add=True)

        return carry

    lax.fori_loop(0, cnt, body, 0)
    plsc.subcore_barrier()

    @pl.when(cid == 0)
    def _():
        pltpu.sync_copy(acc_big.at[rows], outa.at[rows])

    @pl.when(cid == 1)
    def _():
        pltpu.sync_copy(acc_big.at[rows], outb.at[rows])
        pltpu.sync_copy(acc_small.at[rows], outc.at[rows])


@functools.cache
def _make_scatter_sc():
    return pl.kernel(
        _scatter_sc_body,
        out_type=[jax.ShapeDtypeStruct((NPAD, 128), jnp.float32),
                  jax.ShapeDtypeStruct((NPAD, 128), jnp.float32),
                  jax.ShapeDtypeStruct((NPAD, W_C), jnp.float32)],
        mesh=plsc.VectorSubcoreMesh(core_axis_name="c", subcore_axis_name="s",
                                    num_cores=NC, num_subcores=NS),
        scratch_types=[
            pltpu.VMEM((CH,), jnp.int32),
            pltpu.VMEM((CH, 128), jnp.float32),
            pltpu.VMEM((CH, W_C), jnp.float32),
            pltpu.VMEM_SHARED((NPAD, 128), jnp.float32),
            pltpu.VMEM_SHARED((NPAD, W_C), jnp.float32),
        ],
        compiler_params=pltpu.CompilerParams(use_tc_tiling_on_sc=False),
    )


def kernel(x, x_edge, edge_index, wigner_and_M_mapping_inv, edge_envelope,
           W1, b1, W2, b2, W3, b3):
    x2 = jnp.pad(x.reshape(N, F), ((0, NPAD - N), (0, 0)))
    xa = x2[:, :W_A]
    xb = x2[:, W_A:W_A + W_B]
    xc = x2[:, W_A + W_B:]
    wigT = wigner_and_M_mapping_inv.transpose(1, 2, 0).reshape(J * M, E)
    envr = edge_envelope.reshape(1, E)
    dst = edge_index[1]
    ma, mb, mc = _edge_messages(x_edge, wigT, envr,
                                W1, b1, W2, b2, W3, b3)
    outa, outb, outc = _make_scatter_sc()(ma, mb, mc, dst, xa, xb, xc)
    return jnp.concatenate([outa[:N], outb[:N], outc[:N]],
                           axis=1).reshape(N, J, C)

# --- scband reference (transcript-rebuilt; emitter-appended) ---
"""Pipeline reference for scband-edge-degree-embedding-70609262346610 (READ-ONLY COPY).

The authoritative reference and input builder live on the scoring server;
editing this copy changes nothing except your own understanding.
"""

import jax, jax.numpy as jnp
import numpy as np

N = 10000
E = 320000
C = 32   # sphere_channels
M = 9    # num_m_coeffs = sum(m_size) = 3+4+2
J = 9    # (lmax+1)^2 spherical coefficients
H1, H2 = 64, 64
D_EDGE = 128
RESCALE = 5.0


def setup_inputs(seed: int = 0) -> dict:
    key = jax.random.key(seed)
    ks = jax.random.split(key, 12)
    x = jax.random.normal(ks[0], (N, J, C), dtype=jnp.float32)
    x_edge = jax.random.normal(ks[1], (E, D_EDGE), dtype=jnp.float32)
    edge_index = jax.random.randint(ks[2], (2, E), 0, N, dtype=jnp.int32)
    wigner_and_M_mapping_inv = jax.random.normal(ks[3], (E, J, M), dtype=jnp.float32) * 0.1
    edge_envelope = jax.random.uniform(ks[4], (E, 1, 1), dtype=jnp.float32)
    # MLP params: Dense(D_EDGE->H1) -> silu -> Dense(H1->H2) -> silu -> Dense(H2->M*C)
    W1 = jax.random.normal(ks[5], (D_EDGE, H1), dtype=jnp.float32) / np.sqrt(D_EDGE)
    b1 = jnp.zeros((H1,), dtype=jnp.float32)
    W2 = jax.random.normal(ks[6], (H1, H2), dtype=jnp.float32) / np.sqrt(H1)
    b2 = jnp.zeros((H2,), dtype=jnp.float32)
    W3 = jax.random.normal(ks[7], (H2, M * C), dtype=jnp.float32) / np.sqrt(H2)
    b3 = jnp.zeros((M * C,), dtype=jnp.float32)
    return {
        "x": x,
        "x_edge": x_edge,
        "edge_index": edge_index,
        "wigner_and_M_mapping_inv": wigner_and_M_mapping_inv,
        "edge_envelope": edge_envelope,
        "W1": W1, "b1": b1, "W2": W2, "b2": b2, "W3": W3, "b3": b3,
    }


def reference(x, x_edge, edge_index, wigner_and_M_mapping_inv, edge_envelope,
              W1, b1, W2, b2, W3, b3):
    num_edges = edge_index.shape[1]
    h = jax.nn.silu(x_edge @ W1 + b1)
    h = jax.nn.silu(h @ W2 + b2)
    edge_emb = h @ W3 + b3
    edge_emb = edge_emb.reshape(num_edges, M, C)
    edge_emb = edge_emb * edge_envelope
    edge_emb = jnp.einsum('njm,nmc->njc', wigner_and_M_mapping_inv, edge_emb)
    target_indices = edge_index[1]  # node_offset = 0
    new_embedding = jax.ops.segment_sum(edge_emb, target_indices, num_segments=x.shape[0])
    new_embedding = new_embedding / RESCALE
    return x + new_embedding


if False:  # reference __main__ guard neutralized (emitter)
    out = reference(**setup_inputs())
    print(out.shape, out.dtype)

if __name__ == "__main__":
    import jax
    _d = setup_inputs()
    print(jax.jit(kernel)(*tuple(_d.values())))

</pallas_src>

<mosaic_0001>
#map = affine_map<(d0, d1) -> (0, 0)>
#map1 = affine_map<(d0, d1) -> (0)>
module attributes {stable_mosaic.version = 14 : i64} {
  func.func @_scatter_sc_body(%arg0: i32, %arg1: i32, %arg2: memref<320000x128xf32, #tpu.memory_space<hbm>>, %arg3: memref<320000x128xf32, #tpu.memory_space<hbm>>, %arg4: memref<320000x128xf32, #tpu.memory_space<hbm>>, %arg5: memref<320000xi32, #tpu.memory_space<hbm>>, %arg6: memref<10240x128xf32, #tpu.memory_space<hbm>>, %arg7: memref<10240x128xf32, #tpu.memory_space<hbm>>, %arg8: memref<10240x32xf32, #tpu.memory_space<hbm>>, %arg9: memref<10240x128xf32, #tpu.memory_space<hbm>>, %arg10: memref<10240x128xf32, #tpu.memory_space<hbm>>, %arg11: memref<10240x32xf32, #tpu.memory_space<hbm>>, %arg12: memref<128xi32, #tpu.memory_space<vmem>>, %arg13: memref<128x128xf32, #tpu.memory_space<vmem>>, %arg14: memref<128x32xf32, #tpu.memory_space<vmem>>, %arg15: memref<10240x128xf32, #tpu.memory_space<vmem_shared>>, %arg16: memref<10240x32xf32, #tpu.memory_space<vmem_shared>>) attributes {dimension_semantics = [#tpu.dimension_semantics<core_parallel>, #tpu.dimension_semantics<subcore_parallel>], iteration_bounds = array<i64: 2, 16>, scalar_prefetch = 0 : i64, scratch_operands = 5 : i64, tpu.core_type = #tpu.core_type<sc_vector_subcore>, window_params = [{transform_indices = #map}, {transform_indices = #map}, {transform_indices = #map}, {transform_indices = #map1}, {transform_indices = #map}, {transform_indices = #map}, {transform_indices = #map}, {transform_indices = #map}, {transform_indices = #map}, {transform_indices = #map}]} {
    %mul3A = arith.constant 640 : i32
    %mul3A_0 = arith.muli %arg1, %mul3A : i32
    %eq3A = arith.constant 0 : i32
    %eq3A_1 = arith.cmpi eq, %arg0, %eq3A : i32
    %convert_element_type3A = arith.extui %eq3A_1 : i1 to i32
    %cond3A = arith.constant 0 : i32
    %cond3A_2 = arith.cmpi ne, %convert_element_type3A, %cond3A : i32
    scf.if %cond3A_2 {
      "tpu.region"() ({
        %run_scoped3A = tpu.sem_alloc : memref<!tpu.dma_semaphore, #tpu.memory_space<semaphore_mem>>
        %dma_start3A = arith.constant 0 : i32
        %dma_start3A_35 = tpu.memref_slice %arg15[%mul3A_0, %dma_start3A] : memref<10240x128xf32, #tpu.memory_space<vmem_shared>> -> memref<640x128xf32, #tpu.memory_space<vmem_shared>>
        %dma_start3A_36 = arith.constant 0 : i32
        %dma_start3A_37 = tpu.memref_slice %arg6[%mul3A_0, %dma_start3A_36] : memref<10240x128xf32, #tpu.memory_space<hbm>> -> memref<640x128xf32, #tpu.memory_space<hbm>>
        tpu.enqueue_dma source(%dma_start3A_37 : memref<640x128xf32, #tpu.memory_space<hbm>>) target(%dma_start3A_35 : memref<640x128xf32, #tpu.memory_space<vmem_shared>>) target_semaphore(%run_scoped3A : memref<!tpu.dma_semaphore, #tpu.memory_space<semaphore_mem>>)
        %dma_wait3A = arith.constant 0 : i32
        %dma_wait3A_38 = tpu.memref_slice %arg15[%mul3A_0, %dma_wait3A] : memref<10240x128xf32, #tpu.memory_space<vmem_shared>> -> memref<640x128xf32, #tpu.memory_space<vmem_shared>>
        %dma_wait3A_39 = arith.constant 0 : i32
        %dma_wait3A_40 = tpu.memref_slice %arg6[%mul3A_0, %dma_wait3A_39] : memref<10240x128xf32, #tpu.memory_space<hbm>> -> memref<640x128xf32, #tpu.memory_space<hbm>>
        tpu.wait_dma2 semaphore(%run_scoped3A : memref<!tpu.dma_semaphore, #tpu.memory_space<semaphore_mem>>) src(%dma_wait3A_40 : memref<640x128xf32, #tpu.memory_space<hbm>>) dst(%dma_wait3A_38 : memref<640x128xf32, #tpu.memory_space<vmem_shared>>)
        tpu.yield
      }) : () -> ()
    } else {
    }
    %eq3A_3 = arith.constant 1 : i32
    %eq3A_4 = arith.cmpi eq, %arg0, %eq3A_3 : i32
    %convert_element_type3A_5 = arith.extui %eq3A_4 : i1 to i32
    %cond3A_6 = arith.constant 0 : i32
    %cond3A_7 = arith.cmpi ne, %convert_element_type3A_5, %cond3A_6 : i32
    scf.if %cond3A_7 {
      "tpu.region"() ({
        %run_scoped3A = tpu.sem_alloc : memref<!tpu.dma_semaphore, #tpu.memory_space<semaphore_mem>>
        %dma_start3A = arith.constant 0 : i32
        %dma_start3A_35 = tpu.memref_slice %arg15[%mul3A_0, %dma_start3A] : memref<10240x128xf32, #tpu.memory_space<vmem_shared>> -> memref<640x128xf32, #tpu.memory_space<vmem_shared>>
        %dma_start3A_36 = arith.constant 0 : i32
        %dma_start3A_37 = tpu.memref_slice %arg7[%mul3A_0, %dma_start3A_36] : memref<10240x128xf32, #tpu.memory_space<hbm>> -> memref<640x128xf32, #tpu.memory_space<hbm>>
        tpu.enqueue_dma source(%dma_start3A_37 : memref<640x128xf32, #tpu.memory_space<hbm>>) target(%dma_start3A_35 : memref<640x128xf32, #tpu.memory_space<vmem_shared>>) target_semaphore(%run_scoped3A : memref<!tpu.dma_semaphore, #tpu.memory_space<semaphore_mem>>)
        %dma_wait3A = arith.constant 0 : i32
        %dma_wait3A_38 = tpu.memref_slice %arg15[%mul3A_0, %dma_wait3A] : memref<10240x128xf32, #tpu.memory_space<vmem_shared>> -> memref<640x128xf32, #tpu.memory_space<vmem_shared>>
        %dma_wait3A_39 = arith.constant 0 : i32
        %dma_wait3A_40 = tpu.memref_slice %arg7[%mul3A_0, %dma_wait3A_39] : memref<10240x128xf32, #tpu.memory_space<hbm>> -> memref<640x128xf32, #tpu.memory_space<hbm>>
        tpu.wait_dma2 semaphore(%run_scoped3A : memref<!tpu.dma_semaphore, #tpu.memory_space<semaphore_mem>>) src(%dma_wait3A_40 : memref<640x128xf32, #tpu.memory_space<hbm>>) dst(%dma_wait3A_38 : memref<640x128xf32, #tpu.memory_space<vmem_shared>>)
        tpu.yield
      }) : () -> ()
      "tpu.region"() ({
        %run_scoped3A = tpu.sem_alloc : memref<!tpu.dma_semaphore, #tpu.memory_space<semaphore_mem>>
        %dma_start3A = arith.constant 0 : i32
        %dma_start3A_35 = tpu.memref_slice %arg16[%mul3A_0, %dma_start3A] : memref<10240x32xf32, #tpu.memory_space<vmem_shared>> -> memref<640x32xf32, #tpu.memory_space<vmem_shared>>
        %dma_start3A_36 = arith.constant 0 : i32
        %dma_start3A_37 = tpu.memref_slice %arg8[%mul3A_0, %dma_start3A_36] : memref<10240x32xf32, #tpu.memory_space<hbm>> -> memref<640x32xf32, #tpu.memory_space<hbm>>
        tpu.enqueue_dma source(%dma_start3A_37 : memref<640x32xf32, #tpu.memory_space<hbm>>) target(%dma_start3A_35 : memref<640x32xf32, #tpu.memory_space<vmem_shared>>) target_semaphore(%run_scoped3A : memref<!tpu.dma_semaphore, #tpu.memory_space<semaphore_mem>>)
        %dma_wait3A = arith.constant 0 : i32
        %dma_wait3A_38 = tpu.memref_slice %arg16[%mul3A_0, %dma_wait3A] : memref<10240x32xf32, #tpu.memory_space<vmem_shared>> -> memref<640x32xf32, #tpu.memory_space<vmem_shared>>
        %dma_wait3A_39 = arith.constant 0 : i32
        %dma_wait3A_40 = tpu.memref_slice %arg8[%mul3A_0, %dma_wait3A_39] : memref<10240x32xf32, #tpu.memory_space<hbm>> -> memref<640x32xf32, #tpu.memory_space<hbm>>
        tpu.wait_dma2 semaphore(%run_scoped3A : memref<!tpu.dma_semaphore, #tpu.memory_space<semaphore_mem>>) src(%dma_wait3A_40 : memref<640x32xf32, #tpu.memory_space<hbm>>) dst(%dma_wait3A_38 : memref<640x32xf32, #tpu.memory_space<vmem_shared>>)
        tpu.yield
      }) : () -> ()
    } else {
    }
    %barrier3A = arith.constant 0 : index
    tpu.barrier barrier_id(%barrier3A)
    %lt3A = arith.constant 4 : i32
    %lt3A_8 = arith.cmpi slt, %arg1, %lt3A : i32
    %jit3A = arith.constant 1 : i32
    %jit3A_9 = arith.constant 0 : i32
    %select_n3A = arith.select %lt3A_8, %jit3A, %jit3A_9 : i32
    %add3A = arith.constant 156 : i32
    %add3A_10 = arith.addi %add3A, %select_n3A : i32
    %mul3A_11 = arith.constant 156 : i32
    %mul3A_12 = arith.muli %arg1, %mul3A_11 : i32
    %min3A = arith.constant 4 : i32
    %min3A_13 = arith.minsi %arg1, %min3A : i32
    %add3A_14 = arith.addi %mul3A_12, %min3A_13 : i32
    %while3A = arith.constant 0 : i32
    %while3A_15 = arith.constant 0 : i32
    %while3A_16 = arith.subi %add3A_10, %while3A_15 : i32
    %while3A_17 = arith.addi %while3A_15, %while3A_16 : i32
    %while3A_18 = arith.constant 1 : i32
    %while3A_19 = arith.divsi %while3A_16, %while3A_18 : i32
    %while3A_20 = arith.muli %while3A_19, %while3A_18 : i32
    %while3A_21 = arith.addi %while3A_15, %while3A_20 : i32
    %while3A_22 = arith.constant 1 : i32
    scf.for %while3A_35 = %while3A_15 to %while3A_21 step %while3A_22  : i32 {
      %add3A_36 = arith.addi %add3A_14, %while3A_35 : i32
      %mul3A_37 = arith.constant 128 : i32
      %mul3A_38 = arith.muli %add3A_36, %mul3A_37 : i32
      "tpu.region"() ({
        %run_scoped3A = tpu.sem_alloc : memref<!tpu.dma_semaphore, #tpu.memory_space<semaphore_mem>>
        %dma_start3A = tpu.memref_slice %arg5[%mul3A_38] : memref<320000xi32, #tpu.memory_space<hbm>> -> memref<128xi32, #tpu.memory_space<hbm>>
        %dma_start3A_49 = tpu.memref_slice %arg5[%mul3A_38] : memref<320000xi32, #tpu.memory_space<hbm>> -> memref<128xi32, #tpu.memory_space<hbm>>
        tpu.enqueue_dma source(%dma_start3A_49 : memref<128xi32, #tpu.memory_space<hbm>>) target(%arg12 : memref<128xi32, #tpu.memory_space<vmem>>) target_semaphore(%run_scoped3A : memref<!tpu.dma_semaphore, #tpu.memory_space<semaphore_mem>>)
        %dma_wait3A = tpu.memref_slice %arg5[%mul3A_38] : memref<320000xi32, #tpu.memory_space<hbm>> -> memref<128xi32, #tpu.memory_space<hbm>>
        %dma_wait3A_50 = tpu.memref_slice %arg5[%mul3A_38] : memref<320000xi32, #tpu.memory_space<hbm>> -> memref<128xi32, #tpu.memory_space<hbm>>
        tpu.wait_dma2 semaphore(%run_scoped3A : memref<!tpu.dma_semaphore, #tpu.memory_space<semaphore_mem>>) src(%dma_wait3A_50 : memref<128xi32, #tpu.memory_space<hbm>>) dst(%arg12 : memref<128xi32, #tpu.memory_space<vmem>>)
        tpu.yield
      }) : () -> ()
      %eq3A_39 = arith.constant 0 : i32
      %eq3A_40 = arith.cmpi eq, %arg0, %eq3A_39 : i32
      %convert_element_type3A_41 = arith.extui %eq3A_40 : i1 to i32
      %cond3A_42 = arith.constant 0 : i32
      %cond3A_43 = arith.cmpi ne, %convert_element_type3A_41, %cond3A_42 : i32
      scf.if %cond3A_43 {
        "tpu.region"() ({
          %run_scoped3A = tpu.sem_alloc : memref<!tpu.dma_semaphore, #tpu.memory_space<semaphore_mem>>
          %dma_start3A = arith.constant 0 : i32
          %dma_start3A_49 = tpu.memref_slice %arg2[%mul3A_38, %dma_start3A] : memref<320000x128xf32, #tpu.memory_space<hbm>> -> memref<128x128xf32, #tpu.memory_space<hbm>>
          %dma_start3A_50 = arith.constant 0 : i32
          %dma_start3A_51 = tpu.memref_slice %arg2[%mul3A_38, %dma_start3A_50] : memref<320000x128xf32, #tpu.memory_space<hbm>> -> memref<128x128xf32, #tpu.memory_space<hbm>>
          tpu.enqueue_dma source(%dma_start3A_51 : memref<128x128xf32, #tpu.memory_space<hbm>>) target(%arg13 : memref<128x128xf32, #tpu.memory_space<vmem>>) target_semaphore(%run_scoped3A : memref<!tpu.dma_semaphore, #tpu.memory_space<semaphore_mem>>)
          %dma_wait3A = arith.constant 0 : i32
          %dma_wait3A_52 = tpu.memref_slice %arg2[%mul3A_38, %dma_wait3A] : memref<320000x128xf32, #tpu.memory_space<hbm>> -> memref<128x128xf32, #tpu.memory_space<hbm>>
          %dma_wait3A_53 = arith.constant 0 : i32
          %dma_wait3A_54 = tpu.memref_slice %arg2[%mul3A_38, %dma_wait3A_53] : memref<320000x128xf32, #tpu.memory_space<hbm>> -> memref<128x128xf32, #tpu.memory_space<hbm>>
          tpu.wait_dma2 semaphore(%run_scoped3A : memref<!tpu.dma_semaphore, #tpu.memory_space<semaphore_mem>>) src(%dma_wait3A_54 : memref<128x128xf32, #tpu.memory_space<hbm>>) dst(%arg13 : memref<128x128xf32, #tpu.memory_space<vmem>>)
          tpu.yield
        }) : () -> ()
        "tpu.region"() ({
          %run_scoped3A = tpu.sem_alloc : memref<!tpu.dma_semaphore, #tpu.memory_space<semaphore_mem>>
          %dma_start3A = arith.constant 0 : i32
          %dma_start3A_49 = arith.constant 0 : i32
          %dma_start3A_50 = tpu.memref_slice %arg15[%dma_start3A, %dma_start3A_49] : memref<10240x128xf32, #tpu.memory_space<vmem_shared>> -> memref<10240x128xf32, #tpu.memory_space<vmem_shared>>
          tpu.enqueue_indirect_dma source(%arg13 : memref<128x128xf32, #tpu.memory_space<vmem>>) target(%dma_start3A_50 : memref<10240x128xf32, #tpu.memory_space<vmem_shared>>) offsets(%arg12 : memref<128xi32, #tpu.memory_space<vmem>>) semaphore(%run_scoped3A : memref<!tpu.dma_semaphore, #tpu.memory_space<semaphore_mem>>) {add = true}
          %dma_wait3A = arith.constant 0 : i32
          %dma_wait3A_51 = arith.constant 0 : i32
          %dma_wait3A_52 = tpu.memref_slice %arg15[%dma_wait3A, %dma_wait3A_51] : memref<10240x128xf32, #tpu.memory_space<vmem_shared>> -> memref<10240x128xf32, #tpu.memory_space<vmem_shared>>
          tpu.wait_indirect_dma semaphore(%run_scoped3A : memref<!tpu.dma_semaphore, #tpu.memory_space<semaphore_mem>>) src(%arg13 : memref<128x128xf32, #tpu.memory_space<vmem>>) dst(%dma_wait3A_52 : memref<10240x128xf32, #tpu.memory_space<vmem_shared>>)
          tpu.yield
        }) : () -> ()
      } else {
      }
      %eq3A_44 = arith.constant 1 : i32
      %eq3A_45 = arith.cmpi eq, %arg0, %eq3A_44 : i32
      %convert_element_type3A_46 = arith.extui %eq3A_45 : i1 to i32
      %cond3A_47 = arith.constant 0 : i32
      %cond3A_48 = arith.cmpi ne, %convert_element_type3A_46, %cond3A_47 : i32
      scf.if %cond3A_48 {
        "tpu.region"() ({
          %run_scoped3A = tpu.sem_alloc : memref<!tpu.dma_semaphore, #tpu.memory_space<semaphore_mem>>
          %dma_start3A = arith.constant 0 : i32
          %dma_start3A_49 = tpu.memref_slice %arg3[%mul3A_38, %dma_start3A] : memref<320000x128xf32, #tpu.memory_space<hbm>> -> memref<128x128xf32, #tpu.memory_space<hbm>>
          %dma_start3A_50 = arith.constant 0 : i32
          %dma_start3A_51 = tpu.memref_slice %arg3[%mul3A_38, %dma_start3A_50] : memref<320000x128xf32, #tpu.memory_space<hbm>> -> memref<128x128xf32, #tpu.memory_space<hbm>>
          tpu.enqueue_dma source(%dma_start3A_51 : memref<128x128xf32, #tpu.memory_space<hbm>>) target(%arg13 : memref<128x128xf32, #tpu.memory_space<vmem>>) target_semaphore(%run_scoped3A : memref<!tpu.dma_semaphore, #tpu.memory_space<semaphore_mem>>)
          %dma_wait3A = arith.constant 0 : i32
          %dma_wait3A_52 = tpu.memref_slice %arg3[%mul3A_38, %dma_wait3A] : memref<320000x128xf32, #tpu.memory_space<hbm>> -> memref<128x128xf32, #tpu.memory_space<hbm>>
          %dma_wait3A_53 = arith.constant 0 : i32
          %dma_wait3A_54 = tpu.memref_slice %arg3[%mul3A_38, %dma_wait3A_53] : memref<320000x128xf32, #tpu.memory_space<hbm>> -> memref<128x128xf32, #tpu.memory_space<hbm>>
          tpu.wait_dma2 semaphore(%run_scoped3A : memref<!tpu.dma_semaphore, #tpu.memory_space<semaphore_mem>>) src(%dma_wait3A_54 : memref<128x128xf32, #tpu.memory_space<hbm>>) dst(%arg13 : memref<128x128xf32, #tpu.memory_space<vmem>>)
          tpu.yield
        }) : () -> ()
        "tpu.region"() ({
          %run_scoped3A = tpu.sem_alloc : memref<!tpu.dma_semaphore, #tpu.memory_space<semaphore_mem>>
          %dma_start3A = arith.constant 0 : i32
          %dma_start3A_49 = tpu.memref_slice %arg4[%mul3A_38, %dma_start3A] : memref<320000x128xf32, #tpu.memory_space<hbm>> -> memref<128x32xf32, #tpu.memory_space<hbm>>
          %dma_start3A_50 = arith.constant 0 : i32
          %dma_start3A_51 = tpu.memref_slice %arg4[%mul3A_38, %dma_start3A_50] : memref<320000x128xf32, #tpu.memory_space<hbm>> -> memref<128x32xf32, #tpu.memory_space<hbm>>
          tpu.enqueue_dma source(%dma_start3A_51 : memref<128x32xf32, #tpu.memory_space<hbm>>) target(%arg14 : memref<128x32xf32, #tpu.memory_space<vmem>>) target_semaphore(%run_scoped3A : memref<!tpu.dma_semaphore, #tpu.memory_space<semaphore_mem>>)
          %dma_wait3A = arith.constant 0 : i32
          %dma_wait3A_52 = tpu.memref_slice %arg4[%mul3A_38, %dma_wait3A] : memref<320000x128xf32, #tpu.memory_space<hbm>> -> memref<128x32xf32, #tpu.memory_space<hbm>>
          %dma_wait3A_53 = arith.constant 0 : i32
          %dma_wait3A_54 = tpu.memref_slice %arg4[%mul3A_38, %dma_wait3A_53] : memref<320000x128xf32, #tpu.memory_space<hbm>> -> memref<128x32xf32, #tpu.memory_space<hbm>>
          tpu.wait_dma2 semaphore(%run_scoped3A : memref<!tpu.dma_semaphore, #tpu.memory_space<semaphore_mem>>) src(%dma_wait3A_54 : memref<128x32xf32, #tpu.memory_space<hbm>>) dst(%arg14 : memref<128x32xf32, #tpu.memory_space<vmem>>)
          tpu.yield
        }) : () -> ()
        "tpu.region"() ({
          %run_scoped3A = tpu.sem_alloc : memref<!tpu.dma_semaphore, #tpu.memory_space<semaphore_mem>>
          %dma_start3A = arith.constant 0 : i32
          %dma_start3A_49 = arith.constant 0 : i32
          %dma_start3A_50 = tpu.memref_slice %arg15[%dma_start3A, %dma_start3A_49] : memref<10240x128xf32, #tpu.memory_space<vmem_shared>> -> memref<10240x128xf32, #tpu.memory_space<vmem_shared>>
          tpu.enqueue_indirect_dma source(%arg13 : memref<128x128xf32, #tpu.memory_space<vmem>>) target(%dma_start3A_50 : memref<10240x128xf32, #tpu.memory_space<vmem_shared>>) offsets(%arg12 : memref<128xi32, #tpu.memory_space<vmem>>) semaphore(%run_scoped3A : memref<!tpu.dma_semaphore, #tpu.memory_space<semaphore_mem>>) {add = true}
          %dma_wait3A = arith.constant 0 : i32
          %dma_wait3A_51 = arith.constant 0 : i32
          %dma_wait3A_52 = tpu.memref_slice %arg15[%dma_wait3A, %dma_wait3A_51] : memref<10240x128xf32, #tpu.memory_space<vmem_shared>> -> memref<10240x128xf32, #tpu.memory_space<vmem_shared>>
          tpu.wait_indirect_dma semaphore(%run_scoped3A : memref<!tpu.dma_semaphore, #tpu.memory_space<semaphore_mem>>) src(%arg13 : memref<128x128xf32, #tpu.memory_space<vmem>>) dst(%dma_wait3A_52 : memref<10240x128xf32, #tpu.memory_space<vmem_shared>>)
          tpu.yield
        }) : () -> ()
        "tpu.region"() ({
          %run_scoped3A = tpu.sem_alloc : memref<!tpu.dma_semaphore, #tpu.memory_space<semaphore_mem>>
          %dma_start3A = arith.constant 0 : i32
          %dma_start3A_49 = arith.constant 0 : i32
          %dma_start3A_50 = tpu.memref_slice %arg16[%dma_start3A, %dma_start3A_49] : memref<10240x32xf32, #tpu.memory_space<vmem_shared>> -> memref<10240x32xf32, #tpu.memory_space<vmem_shared>>
          tpu.enqueue_indirect_dma source(%arg14 : memref<128x32xf32, #tpu.memory_space<vmem>>) target(%dma_start3A_50 : memref<10240x32xf32, #tpu.memory_space<vmem_shared>>) offsets(%arg12 : memref<128xi32, #tpu.memory_space<vmem>>) semaphore(%run_scoped3A : memref<!tpu.dma_semaphore, #tpu.memory_space<semaphore_mem>>) {add = true}
          %dma_wait3A = arith.constant 0 : i32
          %dma_wait3A_51 = arith.constant 0 : i32
          %dma_wait3A_52 = tpu.memref_slice %arg16[%dma_wait3A, %dma_wait3A_51] : memref<10240x32xf32, #tpu.memory_space<vmem_shared>> -> memref<10240x32xf32, #tpu.memory_space<vmem_shared>>
          tpu.wait_indirect_dma semaphore(%run_scoped3A : memref<!tpu.dma_semaphore, #tpu.memory_space<semaphore_mem>>) src(%arg14 : memref<128x32xf32, #tpu.memory_space<vmem>>) dst(%dma_wait3A_52 : memref<10240x32xf32, #tpu.memory_space<vmem_shared>>)
          tpu.yield
        }) : () -> ()
      } else {
      }
    }
    %while3A_23 = arith.constant 1 : i32
    scf.for %while3A_35 = %while3A_21 to %while3A_17 step %while3A_23  : i32 {
      %add3A_36 = arith.addi %add3A_14, %while3A_35 : i32
      %mul3A_37 = arith.constant 128 : i32
      %mul3A_38 = arith.muli %add3A_36, %mul3A_37 : i32
      "tpu.region"() ({
        %run_scoped3A = tpu.sem_alloc : memref<!tpu.dma_semaphore, #tpu.memory_space<semaphore_mem>>
        %dma_start3A = tpu.memref_slice %arg5[%mul3A_38] : memref<320000xi32, #tpu.memory_space<hbm>> -> memref<128xi32, #tpu.memory_space<hbm>>
        %dma_start3A_49 = tpu.memref_slice %arg5[%mul3A_38] : memref<320000xi32, #tpu.memory_space<hbm>> -> memref<128xi32, #tpu.memory_space<hbm>>
        tpu.enqueue_dma source(%dma_start3A_49 : memref<128xi32, #tpu.memory_space<hbm>>) target(%arg12 : memref<128xi32, #tpu.memory_space<vmem>>) target_semaphore(%run_scoped3A : memref<!tpu.dma_semaphore, #tpu.memory_space<semaphore_mem>>)
        %dma_wait3A = tpu.memref_slice %arg5[%mul3A_38] : memref<320000xi32, #tpu.memory_space<hbm>> -> memref<128xi32, #tpu.memory_space<hbm>>
        %dma_wait3A_50 = tpu.memref_slice %arg5[%mul3A_38] : memref<320000xi32, #tpu.memory_space<hbm>> -> memref<128xi32, #tpu.memory_space<hbm>>
        tpu.wait_dma2 semaphore(%run_scoped3A : memref<!tpu.dma_semaphore, #tpu.memory_space<semaphore_mem>>) src(%dma_wait3A_50 : memref<128xi32, #tpu.memory_space<hbm>>) dst(%arg12 : memref<128xi32, #tpu.memory_space<vmem>>)
        tpu.yield
      }) : () -> ()
      %eq3A_39 = arith.constant 0 : i32
      %eq3A_40 = arith.cmpi eq, %arg0, %eq3A_39 : i32
      %convert_element_type3A_41 = arith.extui %eq3A_40 : i1 to i32
      %cond3A_42 = arith.constant 0 : i32
      %cond3A_43 = arith.cmpi ne, %convert_element_type3A_41, %cond3A_42 : i32
      scf.if %cond3A_43 {
        "tpu.region"() ({
          %run_scoped3A = tpu.sem_alloc : memref<!tpu.dma_semaphore, #tpu.memory_space<semaphore_mem>>
          %dma_start3A = arith.constant 0 : i32
          %dma_start3A_49 = tpu.memref_slice %arg2[%mul3A_38, %dma_start3A] : memref<320000x128xf32, #tpu.memory_space<hbm>> -> memref<128x128xf32, #tpu.memory_space<hbm>>
          %dma_start3A_50 = arith.constant 0 : i32
          %dma_start3A_51 = tpu.memref_slice %arg2[%mul3A_38, %dma_start3A_50] : memref<320000x128xf32, #tpu.memory_space<hbm>> -> memref<128x128xf32, #tpu.memory_space<hbm>>
          tpu.enqueue_dma source(%dma_start3A_51 : memref<128x128xf32, #tpu.memory_space<hbm>>) target(%arg13 : memref<128x128xf32, #tpu.memory_space<vmem>>) target_semaphore(%run_scoped3A : memref<!tpu.dma_semaphore, #tpu.memory_space<semaphore_mem>>)
          %dma_wait3A = arith.constant 0 : i32
          %dma_wait3A_52 = tpu.memref_slice %arg2[%mul3A_38, %dma_wait3A] : memref<320000x128xf32, #tpu.memory_space<hbm>> -> memref<128x128xf32, #tpu.memory_space<hbm>>
          %dma_wait3A_53 = arith.constant 0 : i32
          %dma_wait3A_54 = tpu.memref_slice %arg2[%mul3A_38, %dma_wait3A_53] : memref<320000x128xf32, #tpu.memory_space<hbm>> -> memref<128x128xf32, #tpu.memory_space<hbm>>
          tpu.wait_dma2 semaphore(%run_scoped3A : memref<!tpu.dma_semaphore, #tpu.memory_space<semaphore_mem>>) src(%dma_wait3A_54 : memref<128x128xf32, #tpu.memory_space<hbm>>) dst(%arg13 : memref<128x128xf32, #tpu.memory_space<vmem>>)
          tpu.yield
        }) : () -> ()
        "tpu.region"() ({
          %run_scoped3A = tpu.sem_alloc : memref<!tpu.dma_semaphore, #tpu.memory_space<semaphore_mem>>
          %dma_start3A = arith.constant 0 : i32
          %dma_start3A_49 = arith.constant 0 : i32
          %dma_start3A_50 = tpu.memref_slice %arg15[%dma_start3A, %dma_start3A_49] : memref<10240x128xf32, #tpu.memory_space<vmem_shared>> -> memref<10240x128xf32, #tpu.memory_space<vmem_shared>>
          tpu.enqueue_indirect_dma source(%arg13 : memref<128x128xf32, #tpu.memory_space<vmem>>) target(%dma_start3A_50 : memref<10240x128xf32, #tpu.memory_space<vmem_shared>>) offsets(%arg12 : memref<128xi32, #tpu.memory_space<vmem>>) semaphore(%run_scoped3A : memref<!tpu.dma_semaphore, #tpu.memory_space<semaphore_mem>>) {add = true}
          %dma_wait3A = arith.constant 0 : i32
          %dma_wait3A_51 = arith.constant 0 : i32
          %dma_wait3A_52 = tpu.memref_slice %arg15[%dma_wait3A, %dma_wait3A_51] : memref<10240x128xf32, #tpu.memory_space<vmem_shared>> -> memref<10240x128xf32, #tpu.memory_space<vmem_shared>>
          tpu.wait_indirect_dma semaphore(%run_scoped3A : memref<!tpu.dma_semaphore, #tpu.memory_space<semaphore_mem>>) src(%arg13 : memref<128x128xf32, #tpu.memory_space<vmem>>) dst(%dma_wait3A_52 : memref<10240x128xf32, #tpu.memory_space<vmem_shared>>)
          tpu.yield
        }) : () -> ()
      } else {
      }
      %eq3A_44 = arith.constant 1 : i32
      %eq3A_45 = arith.cmpi eq, %arg0, %eq3A_44 : i32
      %convert_element_type3A_46 = arith.extui %eq3A_45 : i1 to i32
      %cond3A_47 = arith.constant 0 : i32
      %cond3A_48 = arith.cmpi ne, %convert_element_type3A_46, %cond3A_47 : i32
      scf.if %cond3A_48 {
        "tpu.region"() ({
          %run_scoped3A = tpu.sem_alloc : memref<!tpu.dma_semaphore, #tpu.memory_space<semaphore_mem>>
          %dma_start3A = arith.constant 0 : i32
          %dma_start3A_49 = tpu.memref_slice %arg3[%mul3A_38, %dma_start3A] : memref<320000x128xf32, #tpu.memory_space<hbm>> -> memref<128x128xf32, #tpu.memory_space<hbm>>
          %dma_start3A_50 = arith.constant 0 : i32
          %dma_start3A_51 = tpu.memref_slice %arg3[%mul3A_38, %dma_start3A_50] : memref<320000x128xf32, #tpu.memory_space<hbm>> -> memref<128x128xf32, #tpu.memory_space<hbm>>
          tpu.enqueue_dma source(%dma_start3A_51 : memref<128x128xf32, #tpu.memory_space<hbm>>) target(%arg13 : memref<128x128xf32, #tpu.memory_space<vmem>>) target_semaphore(%run_scoped3A : memref<!tpu.dma_semaphore, #tpu.memory_space<semaphore_mem>>)
          %dma_wait3A = arith.constant 0 : i32
          %dma_wait3A_52 = tpu.memref_slice %arg3[%mul3A_38, %dma_wait3A] : memref<320000x128xf32, #tpu.memory_space<hbm>> -> memref<128x128xf32, #tpu.memory_space<hbm>>
          %dma_wait3A_53 = arith.constant 0 : i32
          %dma_wait3A_54 = tpu.memref_slice %arg3[%mul3A_38, %dma_wait3A_53] : memref<320000x128xf32, #tpu.memory_space<hbm>> -> memref<128x128xf32, #tpu.memory_space<hbm>>
          tpu.wait_dma2 semaphore(%run_scoped3A : memref<!tpu.dma_semaphore, #tpu.memory_space<semaphore_mem>>) src(%dma_wait3A_54 : memref<128x128xf32, #tpu.memory_space<hbm>>) dst(%arg13 : memref<128x128xf32, #tpu.memory_space<vmem>>)
          tpu.yield
        }) : () -> ()
        "tpu.region"() ({
          %run_scoped3A = tpu.sem_alloc : memref<!tpu.dma_semaphore, #tpu.memory_space<semaphore_mem>>
          %dma_start3A = arith.constant 0 : i32
          %dma_start3A_49 = tpu.memref_slice %arg4[%mul3A_38, %dma_start3A] : memref<320000x128xf32, #tpu.memory_space<hbm>> -> memref<128x32xf32, #tpu.memory_space<hbm>>
          %dma_start3A_50 = arith.constant 0 : i32
          %dma_start3A_51 = tpu.memref_slice %arg4[%mul3A_38, %dma_start3A_50] : memref<320000x128xf32, #tpu.memory_space<hbm>> -> memref<128x32xf32, #tpu.memory_space<hbm>>
          tpu.enqueue_dma source(%dma_start3A_51 : memref<128x32xf32, #tpu.memory_space<hbm>>) target(%arg14 : memref<128x32xf32, #tpu.memory_space<vmem>>) target_semaphore(%run_scoped3A : memref<!tpu.dma_semaphore, #tpu.memory_space<semaphore_mem>>)
          %dma_wait3A = arith.constant 0 : i32
          %dma_wait3A_52 = tpu.memref_slice %arg4[%mul3A_38, %dma_wait3A] : memref<320000x128xf32, #tpu.memory_space<hbm>> -> memref<128x32xf32, #tpu.memory_space<hbm>>
          %dma_wait3A_53 = arith.constant 0 : i32
          %dma_wait3A_54 = tpu.memref_slice %arg4[%mul3A_38, %dma_wait3A_53] : memref<320000x128xf32, #tpu.memory_space<hbm>> -> memref<128x32xf32, #tpu.memory_space<hbm>>
          tpu.wait_dma2 semaphore(%run_scoped3A : memref<!tpu.dma_semaphore, #tpu.memory_space<semaphore_mem>>) src(%dma_wait3A_54 : memref<128x32xf32, #tpu.memory_space<hbm>>) dst(%arg14 : memref<128x32xf32, #tpu.memory_space<vmem>>)
          tpu.yield
        }) : () -> ()
        "tpu.region"() ({
          %run_scoped3A = tpu.sem_alloc : memref<!tpu.dma_semaphore, #tpu.memory_space<semaphore_mem>>
          %dma_start3A = arith.constant 0 : i32
          %dma_start3A_49 = arith.constant 0 : i32
          %dma_start3A_50 = tpu.memref_slice %arg15[%dma_start3A, %dma_start3A_49] : memref<10240x128xf32, #tpu.memory_space<vmem_shared>> -> memref<10240x128xf32, #tpu.memory_space<vmem_shared>>
          tpu.enqueue_indirect_dma source(%arg13 : memref<128x128xf32, #tpu.memory_space<vmem>>) target(%dma_start3A_50 : memref<10240x128xf32, #tpu.memory_space<vmem_shared>>) offsets(%arg12 : memref<128xi32, #tpu.memory_space<vmem>>) semaphore(%run_scoped3A : memref<!tpu.dma_semaphore, #tpu.memory_space<semaphore_mem>>) {add = true}
          %dma_wait3A = arith.constant 0 : i32
          %dma_wait3A_51 = arith.constant 0 : i32
          %dma_wait3A_52 = tpu.memref_slice %arg15[%dma_wait3A, %dma_wait3A_51] : memref<10240x128xf32, #tpu.memory_space<vmem_shared>> -> memref<10240x128xf32, #tpu.memory_space<vmem_shared>>
          tpu.wait_indirect_dma semaphore(%run_scoped3A : memref<!tpu.dma_semaphore, #tpu.memory_space<semaphore_mem>>) src(%arg13 : memref<128x128xf32, #tpu.memory_space<vmem>>) dst(%dma_wait3A_52 : memref<10240x128xf32, #tpu.memory_space<vmem_shared>>)
          tpu.yield
        }) : () -> ()
        "tpu.region"() ({
          %run_scoped3A = tpu.sem_alloc : memref<!tpu.dma_semaphore, #tpu.memory_space<semaphore_mem>>
          %dma_start3A = arith.constant 0 : i32
          %dma_start3A_49 = arith.constant 0 : i32
          %dma_start3A_50 = tpu.memref_slice %arg16[%dma_start3A, %dma_start3A_49] : memref<10240x32xf32, #tpu.memory_space<vmem_shared>> -> memref<10240x32xf32, #tpu.memory_space<vmem_shared>>
          tpu.enqueue_indirect_dma source(%arg14 : memref<128x32xf32, #tpu.memory_space<vmem>>) target(%dma_start3A_50 : memref<10240x32xf32, #tpu.memory_space<vmem_shared>>) offsets(%arg12 : memref<128xi32, #tpu.memory_space<vmem>>) semaphore(%run_scoped3A : memref<!tpu.dma_semaphore, #tpu.memory_space<semaphore_mem>>) {add = true}
          %dma_wait3A = arith.constant 0 : i32
          %dma_wait3A_51 = arith.constant 0 : i32
          %dma_wait3A_52 = tpu.memref_slice %arg16[%dma_wait3A, %dma_wait3A_51] : memref<10240x32xf32, #tpu.memory_space<vmem_shared>> -> memref<10240x32xf32, #tpu.memory_space<vmem_shared>>
          tpu.wait_indirect_dma semaphore(%run_scoped3A : memref<!tpu.dma_semaphore, #tpu.memory_space<semaphore_mem>>) src(%arg14 : memref<128x32xf32, #tpu.memory_space<vmem>>) dst(%dma_wait3A_52 : memref<10240x32xf32, #tpu.memory_space<vmem_shared>>)
          tpu.yield
        }) : () -> ()
      } else {
      }
    }
    %barrier3A_24 = arith.constant 0 : index
    tpu.barrier barrier_id(%barrier3A_24)
    %eq3A_25 = arith.constant 0 : i32
    %eq3A_26 = arith.cmpi eq, %arg0, %eq3A_25 : i32
    %convert_element_type3A_27 = arith.extui %eq3A_26 : i1 to i32
    %cond3A_28 = arith.constant 0 : i32
    %cond3A_29 = arith.cmpi ne, %convert_element_type3A_27, %cond3A_28 : i32
    scf.if %cond3A_29 {
      "tpu.region"() ({
        %run_scoped3A = tpu.sem_alloc : memref<!tpu.dma_semaphore, #tpu.memory_space<semaphore_mem>>
        %dma_start3A = arith.constant 0 : i32
        %dma_start3A_35 = tpu.memref_slice %arg9[%mul3A_0, %dma_start3A] : memref<10240x128xf32, #tpu.memory_space<hbm>> -> memref<640x128xf32, #tpu.memory_space<hbm>>
        %dma_start3A_36 = arith.constant 0 : i32
        %dma_start3A_37 = tpu.memref_slice %arg15[%mul3A_0, %dma_start3A_36] : memref<10240x128xf32, #tpu.memory_space<vmem_shared>> -> memref<640x128xf32, #tpu.memory_space<vmem_shared>>
        tpu.enqueue_dma source(%dma_start3A_37 : memref<640x128xf32, #tpu.memory_space<vmem_shared>>) target(%dma_start3A_35 : memref<640x128xf32, #tpu.memory_space<hbm>>) target_semaphore(%run_scoped3A : memref<!tpu.dma_semaphore, #tpu.memory_space<semaphore_mem>>)
        %dma_wait3A = arith.constant 0 : i32
        %dma_wait3A_38 = tpu.memref_slice %arg9[%mul3A_0, %dma_wait3A] : memref<10240x128xf32, #tpu.memory_space<hbm>> -> memref<640x128xf32, #tpu.memory_space<hbm>>
        %dma_wait3A_39 = arith.constant 0 : i32
        %dma_wait3A_40 = tpu.memref_slice %arg15[%mul3A_0, %dma_wait3A_39] : memref<10240x128xf32, #tpu.memory_space<vmem_shared>> -> memref<640x128xf32, #tpu.memory_space<vmem_shared>>
        tpu.wait_dma2 semaphore(%run_scoped3A : memref<!tpu.dma_semaphore, #tpu.memory_space<semaphore_mem>>) src(%dma_wait3A_40 : memref<640x128xf32, #tpu.memory_space<vmem_shared>>) dst(%dma_wait3A_38 : memref<640x128xf32, #tpu.memory_space<hbm>>)
        tpu.yield
      }) : () -> ()
    } else {
    }
    %eq3A_30 = arith.constant 1 : i32
    %eq3A_31 = arith.cmpi eq, %arg0, %eq3A_30 : i32
    %convert_element_type3A_32 = arith.extui %eq3A_31 : i1 to i32
    %cond3A_33 = arith.constant 0 : i32
    %cond3A_34 = arith.cmpi ne, %convert_element_type3A_32, %cond3A_33 : i32
    scf.if %cond3A_34 {
      "tpu.region"() ({
        %run_scoped3A = tpu.sem_alloc : memref<!tpu.dma_semaphore, #tpu.memory_space<semaphore_mem>>
        %dma_start3A = arith.constant 0 : i32
        %dma_start3A_35 = tpu.memref_slice %arg10[%mul3A_0, %dma_start3A] : memref<10240x128xf32, #tpu.memory_space<hbm>> -> memref<640x128xf32, #tpu.memory_space<hbm>>
        %dma_start3A_36 = arith.constant 0 : i32
        %dma_start3A_37 = tpu.memref_slice %arg15[%mul3A_0, %dma_start3A_36] : memref<10240x128xf32, #tpu.memory_space<vmem_shared>> -> memref<640x128xf32, #tpu.memory_space<vmem_shared>>
        tpu.enqueue_dma source(%dma_start3A_37 : memref<640x128xf32, #tpu.memory_space<vmem_shared>>) target(%dma_start3A_35 : memref<640x128xf32, #tpu.memory_space<hbm>>) target_semaphore(%run_scoped3A : memref<!tpu.dma_semaphore, #tpu.memory_space<semaphore_mem>>)
        %dma_wait3A = arith.constant 0 : i32
        %dma_wait3A_38 = tpu.memref_slice %arg10[%mul3A_0, %dma_wait3A] : memref<10240x128xf32, #tpu.memory_space<hbm>> -> memref<640x128xf32, #tpu.memory_space<hbm>>
        %dma_wait3A_39 = arith.constant 0 : i32
        %dma_wait3A_40 = tpu.memref_slice %arg15[%mul3A_0, %dma_wait3A_39] : memref<10240x128xf32, #tpu.memory_space<vmem_shared>> -> memref<640x128xf32, #tpu.memory_space<vmem_shared>>
        tpu.wait_dma2 semaphore(%run_scoped3A : memref<!tpu.dma_semaphore, #tpu.memory_space<semaphore_mem>>) src(%dma_wait3A_40 : memref<640x128xf32, #tpu.memory_space<vmem_shared>>) dst(%dma_wait3A_38 : memref<640x128xf32, #tpu.memory_space<hbm>>)
        tpu.yield
      }) : () -> ()
      "tpu.region"() ({
        %run_scoped3A = tpu.sem_alloc : memref<!tpu.dma_semaphore, #tpu.memory_space<semaphore_mem>>
        %dma_start3A = arith.constant 0 : i32
        %dma_start3A_35 = tpu.memref_slice %arg11[%mul3A_0, %dma_start3A] : memref<10240x32xf32, #tpu.memory_space<hbm>> -> memref<640x32xf32, #tpu.memory_space<hbm>>
        %dma_start3A_36 = arith.constant 0 : i32
        %dma_start3A_37 = tpu.memref_slice %arg16[%mul3A_0, %dma_start3A_36] : memref<10240x32xf32, #tpu.memory_space<vmem_shared>> -> memref<640x32xf32, #tpu.memory_space<vmem_shared>>
        tpu.enqueue_dma source(%dma_start3A_37 : memref<640x32xf32, #tpu.memory_space<vmem_shared>>) target(%dma_start3A_35 : memref<640x32xf32, #tpu.memory_space<hbm>>) target_semaphore(%run_scoped3A : memref<!tpu.dma_semaphore, #tpu.memory_space<semaphore_mem>>)
        %dma_wait3A = arith.constant 0 : i32
        %dma_wait3A_38 = tpu.memref_slice %arg11[%mul3A_0, %dma_wait3A] : memref<10240x32xf32, #tpu.memory_space<hbm>> -> memref<640x32xf32, #tpu.memory_space<hbm>>
        %dma_wait3A_39 = arith.constant 0 : i32
        %dma_wait3A_40 = tpu.memref_slice %arg16[%mul3A_0, %dma_wait3A_39] : memref<10240x32xf32, #tpu.memory_space<vmem_shared>> -> memref<640x32xf32, #tpu.memory_space<vmem_shared>>
        tpu.wait_dma2 semaphore(%run_scoped3A : memref<!tpu.dma_semaphore, #tpu.memory_space<semaphore_mem>>) src(%dma_wait3A_40 : memref<640x32xf32, #tpu.memory_space<vmem_shared>>) dst(%dma_wait3A_38 : memref<640x32xf32, #tpu.memory_space<hbm>>)
        tpu.yield
      }) : () -> ()
    } else {
    }
    return
  }
}

module attributes {stable_mosaic.version = 14 : i64} {
  func.func @_edge_tc_kernel(%arg0: i32, %arg1: memref<1280x128xf32, #tpu.memory_space<vmem>>, %arg2: memref<81x1280xf32, #tpu.memory_space<vmem>>, %arg3: memref<1x1280xf32, #tpu.memory_space<vmem>>, %arg4: memref<81x81xbf16, #tpu.memory_space<vmem>>, %arg5: memref<128x64xf32, #tpu.memory_space<vmem>>, %arg6: memref<1x64xf32, #tpu.memory_space<vmem>>, %arg7: memref<64x64xf32, #tpu.memory_space<vmem>>, %arg8: memref<1x64xf32, #tpu.memory_space<vmem>>, %arg9: memref<64x288xf32, #tpu.memory_space<vmem>>, %arg10: memref<1x288xf32, #tpu.memory_space<vmem>>, %arg11: memref<1280x128xf32, #tpu.memory_space<vmem>>, %arg12: memref<1280x128xf32, #tpu.memory_space<vmem>>, %arg13: memref<1280x128xf32, #tpu.memory_space<vmem>>) attributes {dimension_semantics = [#tpu.dimension_semantics<arbitrary>], iteration_bounds = array<i64: 250>, scalar_prefetch = 0 : i64, scratch_operands = 0 : i64, tpu.core_type = #tpu.core_type<tc>, window_params = [{transform_indices = @transform_0, window_bounds = array<i64: 1280, 128>}, {transform_indices = @transform_1, window_bounds = array<i64: 81, 1280>}, {transform_indices = @transform_2, window_bounds = array<i64: 1, 1280>}, {pipeline_mode = #tpu.pipeline_mode<synchronous>, transform_indices = @transform_3, window_bounds = array<i64: 81, 81>}, {pipeline_mode = #tpu.pipeline_mode<synchronous>, transform_indices = @transform_4, window_bounds = array<i64: 128, 64>}, {pipeline_mode = #tpu.pipeline_mode<synchronous>, transform_indices = @transform_5, window_bounds = array<i64: 1, 64>}, {pipeline_mode = #tpu.pipeline_mode<synchronous>, transform_indices = @transform_6, window_bounds = array<i64: 64, 64>}, {pipeline_mode = #tpu.pipeline_mode<synchronous>, transform_indices = @transform_7, window_bounds = array<i64: 1, 64>}, {pipeline_mode = #tpu.pipeline_mode<synchronous>, transform_indices = @transform_8, window_bounds = array<i64: 64, 288>}, {pipeline_mode = #tpu.pipeline_mode<synchronous>, transform_indices = @transform_9, window_bounds = array<i64: 1, 288>}, {transform_indices = @transform_10, window_bounds = array<i64: 1280, 128>}, {transform_indices = @transform_11, window_bounds = array<i64: 1280, 128>}, {transform_indices = @transform_12, window_bounds = array<i64: 1280, 128>}]} {
    %get3A = arith.constant 0 : index
    %get3A_0 = arith.constant 0 : index
    %get3A_1 = vector.load %arg1[%get3A, %get3A_0] : memref<1280x128xf32, #tpu.memory_space<vmem>>, vector<1280x128xf32>
    %get3A_2 = arith.constant 0 : index
    %get3A_3 = arith.constant 0 : index
    %get3A_4 = vector.load %arg5[%get3A_2, %get3A_3] : memref<128x64xf32, #tpu.memory_space<vmem>>, vector<128x64xf32>
    %dot_general3A = arith.constant dense<0.000000e+00> : vector<1280x64xf32>
    %dot_general3A_5 = tpu.matmul %get3A_1, %get3A_4, %dot_general3A {dimension_numbers = #tpu.dot_dimension_numbers<[1], [0], [0], [1], [0, 0, 1, 1], [], []>, transpose_lhs_hint = false} : vector<1280x128xf32>, vector<128x64xf32>, vector<1280x64xf32> -> vector<1280x64xf32>
    %get3A_6 = arith.constant 0 : index
    %get3A_7 = arith.constant 0 : index
    %get3A_8 = vector.load %arg6[%get3A_6, %get3A_7] : memref<1x64xf32, #tpu.memory_space<vmem>>, vector<1x64xf32>
    %add3A = vector.broadcast %get3A_8 : vector<1x64xf32> to vector<1280x64xf32>
    %add3A_9 = arith.addf %dot_general3A_5, %add3A : vector<1280x64xf32>
    %logistic3A = arith.negf %add3A_9 : vector<1280x64xf32>
    %logistic3A_10 = math.exp %logistic3A : vector<1280x64xf32>
    %logistic3A_11 = arith.constant 1.000000e+00 : f32
    %logistic3A_12 = vector.broadcast %logistic3A_11 : f32 to vector<1280x64xf32>
    %logistic3A_13 = arith.addf %logistic3A_12, %logistic3A_10 : vector<1280x64xf32>
    %logistic3A_14 = arith.divf %logistic3A_12, %logistic3A_13 : vector<1280x64xf32>
    %mul3A = arith.mulf %add3A_9, %logistic3A_14 : vector<1280x64xf32>
    %get3A_15 = arith.constant 0 : index
    %get3A_16 = arith.constant 0 : index
    %get3A_17 = vector.load %arg7[%get3A_15, %get3A_16] : memref<64x64xf32, #tpu.memory_space<vmem>>, vector<64x64xf32>
    %dot_general3A_18 = arith.constant dense<0.000000e+00> : vector<1280x64xf32>
    %dot_general3A_19 = tpu.matmul %mul3A, %get3A_17, %dot_general3A_18 {dimension_numbers = #tpu.dot_dimension_numbers<[1], [0], [0], [1], [0, 0, 1, 1], [], []>, transpose_lhs_hint = false} : vector<1280x64xf32>, vector<64x64xf32>, vector<1280x64xf32> -> vector<1280x64xf32>
    %get3A_20 = arith.constant 0 : index
    %get3A_21 = arith.constant 0 : index
    %get3A_22 = vector.load %arg8[%get3A_20, %get3A_21] : memref<1x64xf32, #tpu.memory_space<vmem>>, vector<1x64xf32>
    %add3A_23 = vector.broadcast %get3A_22 : vector<1x64xf32> to vector<1280x64xf32>
    %add3A_24 = arith.addf %dot_general3A_19, %add3A_23 : vector<1280x64xf32>
    %logistic3A_25 = arith.negf %add3A_24 : vector<1280x64xf32>
    %logistic3A_26 = math.exp %logistic3A_25 : vector<1280x64xf32>
    %logistic3A_27 = arith.constant 1.000000e+00 : f32
    %logistic3A_28 = vector.broadcast %logistic3A_27 : f32 to vector<1280x64xf32>
    %logistic3A_29 = arith.addf %logistic3A_28, %logistic3A_26 : vector<1280x64xf32>
    %logistic3A_30 = arith.divf %logistic3A_28, %logistic3A_29 : vector<1280x64xf32>
    %mul3A_31 = arith.mulf %add3A_24, %logistic3A_30 : vector<1280x64xf32>
    %get3A_32 = arith.constant 0 : index
    %get3A_33 = arith.constant 0 : index
    %get3A_34 = vector.load %arg9[%get3A_32, %get3A_33] : memref<64x288xf32, #tpu.memory_space<vmem>>, vector<64x288xf32>
    %dot_general3A_35 = arith.constant dense<0.000000e+00> : vector<1280x288xf32>
    %dot_general3A_36 = tpu.matmul %mul3A_31, %get3A_34, %dot_general3A_35 {dimension_numbers = #tpu.dot_dimension_numbers<[1], [0], [0], [1], [0, 0, 1, 1], [], []>, transpose_lhs_hint = false} : vector<1280x64xf32>, vector<64x288xf32>, vector<1280x288xf32> -> vector<1280x288xf32>
    %get3A_37 = arith.constant 0 : index
    %get3A_38 = arith.constant 0 : index
    %get3A_39 = vector.load %arg10[%get3A_37, %get3A_38] : memref<1x288xf32, #tpu.memory_space<vmem>>, vector<1x288xf32>
    %add3A_40 = vector.broadcast %get3A_39 : vector<1x288xf32> to vector<1280x288xf32>
    %add3A_41 = arith.addf %dot_general3A_36, %add3A_40 : vector<1280x288xf32>
    %reshape3A = vector.shape_cast %add3A_41 : vector<1280x288xf32> to vector<1280x9x32xf32>
    %get3A_42 = arith.constant 0 : index
    %get3A_43 = arith.constant 0 : index
    %get3A_44 = vector.load %arg2[%get3A_42, %get3A_43] : memref<81x1280xf32, #tpu.memory_space<vmem>>, vector<81x1280xf32>
    %get3A_45 = arith.constant 0 : index
    %get3A_46 = arith.constant 0 : index
    %get3A_47 = vector.load %arg3[%get3A_45, %get3A_46] : memref<1x1280xf32, #tpu.memory_space<vmem>>, vector<1x1280xf32>
    %mul3A_48 = arith.constant 2.000000e-01 : f32
    %mul3A_49 = vector.broadcast %mul3A_48 : f32 to vector<1x1280xf32>
    %mul3A_50 = arith.mulf %get3A_47, %mul3A_49 : vector<1x1280xf32>
    %mul3A_51 = vector.broadcast %mul3A_50 : vector<1x1280xf32> to vector<81x1280xf32>
    %mul3A_52 = arith.mulf %get3A_44, %mul3A_51 : vector<81x1280xf32>
    %convert_element_type3A = arith.truncf %mul3A_52 : vector<81x1280xf32> to vector<81x1280xbf16>
    %get3A_53 = arith.constant 0 : index
    %get3A_54 = arith.constant 0 : index
    %get3A_55 = vector.load %arg4[%get3A_53, %get3A_54] : memref<81x81xbf16, #tpu.memory_space<vmem>>, vector<81x81xbf16>
    %dot_general3A_56 = arith.constant dense<0.000000e+00> : vector<1280x81xf32>
    %dot_general3A_57 = tpu.matmul %convert_element_type3A, %get3A_55, %dot_general3A_56 {dimension_numbers = #tpu.dot_dimension_numbers<[0], [0], [1], [1], [0, 1, 1, 1], [], []>, transpose_lhs_hint = false} : vector<81x1280xbf16>, vector<81x81xbf16>, vector<1280x81xf32> -> vector<1280x81xf32>
    %reshape3A_58 = vector.shape_cast %dot_general3A_57 : vector<1280x81xf32> to vector<1280x9x9xf32>
    %convert_element_type3A_59 = arith.truncf %reshape3A_58 : vector<1280x9x9xf32> to vector<1280x9x9xbf16>
    %convert_element_type3A_60 = arith.truncf %reshape3A : vector<1280x9x32xf32> to vector<1280x9x32xbf16>
    "tpu.trace_start"() <{level = 10 : i32, message = "bjm,bmc->bjc"}> : () -> ()
    %dot_general3A_61 = arith.constant dense<0.000000e+00> : vector<1280x9x32xf32>
    %dot_general3A_62 = tpu.matmul %convert_element_type3A_59, %convert_element_type3A_60, %dot_general3A_61 {dimension_numbers = #tpu.dot_dimension_numbers<[2], [1], [1], [2], [0, 0, 0, 1, 1, 2], [0], [0]>, transpose_lhs_hint = false} : vector<1280x9x9xbf16>, vector<1280x9x32xbf16>, vector<1280x9x32xf32> -> vector<1280x9x32xf32>
    "tpu.trace_stop"() : () -> ()
    %reshape3A_63 = vector.shape_cast %dot_general3A_62 : vector<1280x9x32xf32> to vector<1280x288xf32>
    %slice3A = vector.extract_strided_slice %reshape3A_63 {offsets = [0, 0], sizes = [1280, 128], strides = [1, 1]} : vector<1280x288xf32> to vector<1280x128xf32>
    %swap3A = arith.constant 0 : index
    %swap3A_64 = arith.constant 0 : index
    %swap3A_65 = vector.load %arg11[%swap3A, %swap3A_64] : memref<1280x128xf32, #tpu.memory_space<vmem>>, vector<1280x128xf32>
    tpu.vector_store %arg11[%swap3A, %swap3A_64], %slice3A {strides = array<i32>} : memref<1280x128xf32, #tpu.memory_space<vmem>>, vector<1280x128xf32>,
    %slice3A_66 = vector.extract_strided_slice %reshape3A_63 {offsets = [0, 128], sizes = [1280, 128], strides = [1, 1]} : vector<1280x288xf32> to vector<1280x128xf32>
    %swap3A_67 = arith.constant 0 : index
    %swap3A_68 = arith.constant 0 : index
    %swap3A_69 = vector.load %arg12[%swap3A_67, %swap3A_68] : memref<1280x128xf32, #tpu.memory_space<vmem>>, vector<1280x128xf32>
    tpu.vector_store %arg12[%swap3A_67, %swap3A_68], %slice3A_66 {strides = array<i32>} : memref<1280x128xf32, #tpu.memory_space<vmem>>, vector<1280x128xf32>,
    %slice3A_70 = vector.extract_strided_slice %reshape3A_63 {offsets = [0, 256], sizes = [1280, 32], strides = [1, 1]} : vector<1280x288xf32> to vector<1280x32xf32>
    %swap3A_71 = arith.constant 0 : index
    %swap3A_72 = arith.constant 0 : index
    %swap3A_73 = vector.load %arg13[%swap3A_71, %swap3A_72] : memref<1280x128xf32, #tpu.memory_space<vmem>>, vector<1280x32xf32>
    tpu.vector_store %arg13[%swap3A_71, %swap3A_72], %slice3A_70 {strides = array<i32>} : memref<1280x128xf32, #tpu.memory_space<vmem>>, vector<1280x32xf32>,
    return
  }
  func.func @transform_0(%arg0: i32) -> (i32, i32) {
    %c0_i32 = arith.constant 0 : i32
    %c0_i32_0 = arith.constant 0 : i32
    return %arg0, %c0_i32 : i32, i32
  }
  func.func @transform_1(%arg0: i32) -> (i32, i32) {
    %c0_i32 = arith.constant 0 : i32
    %c0_i32_0 = arith.constant 0 : i32
    return %c0_i32, %arg0 : i32, i32
  }
  func.func @transform_2(%arg0: i32) -> (i32, i32) {
    %c0_i32 = arith.constant 0 : i32
    %c0_i32_0 = arith.constant 0 : i32
    return %c0_i32, %arg0 : i32, i32
  }
  func.func @transform_3(%arg0: i32) -> (i32, i32) {
    %c0_i32 = arith.constant 0 : i32
    %c0_i32_0 = arith.constant 0 : i32
    %c0_i32_1 = arith.constant 0 : i32
    return %c0_i32, %c0_i32_0 : i32, i32
  }
  func.func @transform_4(%arg0: i32) -> (i32, i32) {
    %c0_i32 = arith.constant 0 : i32
    %c0_i32_0 = arith.constant 0 : i32
    %c0_i32_1 = arith.constant 0 : i32
    return %c0_i32, %c0_i32_0 : i32, i32
  }
  func.func @transform_5(%arg0: i32) -> (i32, i32) {
    %c0_i32 = arith.constant 0 : i32
    %c0_i32_0 = arith.constant 0 : i32
    %c0_i32_1 = arith.constant 0 : i32
    return %c0_i32, %c0_i32_0 : i32, i32
  }
  func.func @transform_6(%arg0: i32) -> (i32, i32) {
    %c0_i32 = arith.constant 0 : i32
    %c0_i32_0 = arith.constant 0 : i32
    %c0_i32_1 = arith.constant 0 : i32
    return %c0_i32, %c0_i32_0 : i32, i32
  }
  func.func @transform_7(%arg0: i32) -> (i32, i32) {
    %c0_i32 = arith.constant 0 : i32
    %c0_i32_0 = arith.constant 0 : i32
    %c0_i32_1 = arith.constant 0 : i32
    return %c0_i32, %c0_i32_0 : i32, i32
  }
  func.func @transform_8(%arg0: i32) -> (i32, i32) {
    %c0_i32 = arith.constant 0 : i32
    %c0_i32_0 = arith.constant 0 : i32
    %c0_i32_1 = arith.constant 0 : i32
    return %c0_i32, %c0_i32_0 : i32, i32
  }
  func.func @transform_9(%arg0: i32) -> (i32, i32) {
    %c0_i32 = arith.constant 0 : i32
    %c0_i32_0 = arith.constant 0 : i32
    %c0_i32_1 = arith.constant 0 : i32
    return %c0_i32, %c0_i32_0 : i32, i32
  }
  func.func @transform_10(%arg0: i32) -> (i32, i32) {
    %c0_i32 = arith.constant 0 : i32
    %c0_i32_0 = arith.constant 0 : i32
    return %arg0, %c0_i32 : i32, i32
  }
  func.func @transform_11(%arg0: i32) -> (i32, i32) {
    %c0_i32 = arith.constant 0 : i32
    %c0_i32_0 = arith.constant 0 : i32
    return %arg0, %c0_i32 : i32, i32
  }
  func.func @transform_12(%arg0: i32) -> (i32, i32) {
    %c0_i32 = arith.constant 0 : i32
    %c0_i32_0 = arith.constant 0 : i32
    return %arg0, %c0_i32 : i32, i32
  }
}

</mosaic_0001>

<sc_bundles>
// kernel: kernel.4.cloned.1.call-start
scs
__scs_entry_jumppad:
0x0: {  	(pc) =	sbr.rel $0x88, $3  }
0x1: {  	(tag) =	ssettag $0x0;
	lr =	simm.s32 $0x1  }
0x2: {  	[smem:$0x3F96] =	sst lr;
	_ =	strace $0xD0000000  }
0x3: {  	_ = 	snop  }
0x4: {  	_ = 	snop  }
0x5: {  	_ = 	snop  }
0x6: {  	_ = 	snop  }
0x7: {  	_ = 	snop  }
__scs_overlays_trampoline_lowered:
0x8: {  	[smem:$0x3FA5] =	sst s0  }
0x9: {  	[smem:$0x3FA6] =	sst s1  }
0xa: {  	[smem:$0x3FA7] =	sst s2  }
0xb: {  	[smem:$0x3FA8] =	sst s3  }
0xc: {  	[smem:$0x3FA9] =	sst s4  }
0xd: {  	[smem:$0x3FAA] =	sst s5  }
0xe: {  	[smem:$0x3FAB] =	sst s6  }
0xf: {  	[smem:$0x3FAC] =	sst s7  }
0x10: {  	[smem:$0x3FAD] =	sst s8  }
0x11: {  	[smem:$0x3FAE] =	sst s9;
	s0 =	simm.s32 @!p0 $0x0  }
0x12: {  	s1 =	sld [smem:$0x3F94];
	s0 =	simm.s32 @p0 $0x1  }
0x13: {  	[smem:$0x3FAF] =	sst s0;
	s0 =	simm.s32 @!p1 $0x0  }
0x14: {  	s2 =	sld [smem:$0x3F93];
	s0 =	simm.s32 @p1 $0x1  }
0x15: {  	[smem:$0x3FB0] =	sst s0;
	s0 =	simm.s32 @!p2 $0x0  }
0x16: {  	s3 =	sld [smem:$0x3FDB];
	s0 =	simm.s32 @p2 $0x1  }
0x17: {  	s4 =	simm.s32 $0x1BF5;
	[smem:$0x3FB2] =	sst s0  }
0x18: {  	s0 =	sld [smem:$0x3F95];
	_ =	swait.ge [sflag:s4], $0x0  }
0x19: {  	s7 =	sld [smem:$0x3F96]  }
0x1a: {  	s8 =	sadd.s32 $0xFFFFE003, lr  }
0x1b: {  	s9 =	sadd.s32 $0xFFFFFEF7, lr;
	s5 =	simm.s32 $0xFFFFFFFF;
	p2 =	slt.u32 s8, $0xFFFFF086  }
0x1c: {  	p1 =	slt.u32 s9, $0xF7A;
	s5 =	simm.s32 @!p2 $0x0  }
0x1d: {  	s5 =	simm.s32 @p1 $0x1;
	p0 =	seq.s32 s7, s2  }
0x1e: {  	s7 =	smul.u32 @!p0 $0xF7A, s2;
	p2 =	seq.s32 @!p0 s5, $0x0  }
0x1f: {  	s9 =	smul.u32 $0xF7A, s1;
	s8 =	simm.s32 @!p0 $0x1BF5;
	p2 =	por !p2, p0  }
0x20: {  	[sflag:s8] =	ssyncset.s32 @!p0 $0xFFFFF086;
	s6 =	sadd.s32 @!p0 s3, s7;
	s7 =	simm.s32 @!p0 $0x108  }
0x21: {  	s3 =	sadd.s32 s3, s9;
	s6 =	sadd.s32 @!p0 $0x88, s6;
	s7 =	simm.s32 @p2 $0x1082  }
0x22: {  	[simem:s7], [sflag:s8] =	dma.local @!p0 [hbm:s6], $0xF7A  }
0x23: {  	s9 =	sor.u32 $0xD0000000, s2;
	s6 =	simm.s32 $0x108;
	_ =	swait.ge @!p0 [sflag:s8], $0x0  }
0x24: {  	s3 =	sadd.s32 $0x88, s3;
	s6 =	simm.s32 @!p1 $0x1082;
	[sflag:s4] =	ssyncset.s32 $0xFFFFF086  }
0x25: {  	[simem:s6], [sflag:s4] =	dma.local [hbm:s3], $0xF7A  }
0x26: {  	[smem:$0x3F96] =	sst s1;
	(tag) =	ssettag s2;
	_ =	strace s9  }
0x27: {  	s1 =	sld [smem:$0x3FA6]  }
0x28: {  	s2 =	sld [smem:$0x3FA7]  }
0x29: {  	s4 =	sld [smem:$0x3FA9]  }
0x2a: {  	p0 =	seq.s32 s5, $0x0;
	s5 =	sld [smem:$0x3FAA]  }
0x2b: {  	s6 =	sld [smem:$0x3FAB]  }
0x2c: {  	s7 =	sld [smem:$0x3FAC]  }
0x2d: {  	s3 =	simm.s32 $0x108;
	s8 =	sld [smem:$0x3FAD]  }
0x2e: {  	s3 =	simm.s32 @!p0 $0x1082;
	s9 =	sld [smem:$0x3FAE]  }
0x2f: {  	lr =	sadd.s32 s0, s3;
	s0 =	sld [smem:$0x3FA5]  }
0x30: {  	s3 =	sld [smem:$0x3FA8]  }
0x31: {  	[smem:$0x3FB1] =	sst s10  }
0x32: {  	s10 =	sld [smem:$0x3FAF];
	_ =	sdelay $0x3  }
0x33: {  	p0 =	seq.s32 s10, $0x1;
	s10 =	sld [smem:$0x3FB1];
	_ =	sdelay $0x3  }
0x34: {  	[smem:$0x3FB1] =	sst s10  }
0x35: {  	s10 =	sld [smem:$0x3FB0];
	_ =	sdelay $0x3  }
0x36: {  	p1 =	seq.s32 s10, $0x1;
	s10 =	sld [smem:$0x3FB1];
	_ =	sdelay $0x3  }
0x37: {  	[smem:$0x3FB1] =	sst s10  }
0x38: {  	s10 =	sld [smem:$0x3FB2]  }
0x39: {  	_ = 	snop;
	(pc) =	sbr.ind lr, $3  }
0x3a: {  	_ = 	snop  }
0x3b: {  	_ = 	snop  }
0x3c: {  	p2 =	seq.s32 s10, $0x1;
	s10 =	sld [smem:$0x3FB1]  }
0x3d: {  	_ =	shalt  }
0x3e: {  	_ =	shalt  }
0x3f: {  	_ =	shalt  }
0x40: {  	_ =	shalt  }
0x41: {  	_ =	shalt  }
0x42: {  	_ =	shalt  }
0x43: {  	_ =	shalt  }
0x44: {  	_ =	shalt  }
0x45: {  	_ =	shalt  }
0x46: {  	_ =	shalt  }
0x47: {  	_ =	shalt  }
0x48: {  	_ =	shalt  }
0x49: {  	_ =	shalt  }
0x4a: {  	_ =	shalt  }
0x4b: {  	_ =	shalt  }
0x4c: {  	_ =	shalt  }
0x4d: {  	_ =	shalt  }
0x4e: {  	_ =	shalt  }
0x4f: {  	_ =	shalt  }
0x50: {  	_ =	shalt  }
0x51: {  	_ =	shalt  }
0x52: {  	_ =	shalt  }
0x53: {  	_ =	shalt  }
0x54: {  	_ =	shalt  }
0x55: {  	_ =	shalt  }
0x56: {  	_ =	shalt  }
0x57: {  	_ =	shalt  }
0x58: {  	_ =	shalt  }
0x59: {  	_ =	shalt  }
0x5a: {  	_ =	shalt  }
0x5b: {  	_ =	shalt  }
0x5c: {  	_ =	shalt  }
0x5d: {  	_ =	shalt  }
0x5e: {  	_ =	shalt  }
0x5f: {  	_ =	shalt  }
0x60: {  	_ =	shalt  }
0x61: {  	_ =	shalt  }
0x62: {  	_ =	shalt  }
0x63: {  	_ =	shalt  }
0x64: {  	_ =	shalt  }
0x65: {  	_ =	shalt  }
0x66: {  	_ =	shalt  }
0x67: {  	_ =	shalt  }
0x68: {  	_ =	shalt  }
0x69: {  	_ =	shalt  }
0x6a: {  	_ =	shalt  }
0x6b: {  	_ =	shalt  }
0x6c: {  	_ =	shalt  }
0x6d: {  	_ =	shalt  }
0x6e: {  	_ =	shalt  }
0x6f: {  	_ =	shalt  }
0x70: {  	_ =	shalt  }
0x71: {  	_ =	shalt  }
0x72: {  	_ =	shalt  }
0x73: {  	_ =	shalt  }
0x74: {  	_ =	shalt  }
0x75: {  	_ =	shalt  }
0x76: {  	_ =	shalt  }
0x77: {  	_ =	shalt  }
0x78: {  	_ =	shalt  }
0x79: {  	_ =	shalt  }
0x7a: {  	_ =	shalt  }
0x7b: {  	_ =	shalt  }
0x7c: {  	_ =	shalt  }
0x7d: {  	_ =	shalt  }
0x7e: {  	_ =	shalt  }
0x7f: {  	_ =	shalt  }
0x80: {  	_ =	shalt  }
0x81: {  	_ =	shalt  }
0x82: {  	_ =	shalt  }
0x83: {  	_ =	shalt  }
0x84: {  	_ =	shalt  }
0x85: {  	_ =	shalt  }
0x86: {  	_ =	shalt  }
0x87: {  	_ =	shalt  }
.Lfunc_end0:
.L_simem_size_0:
called_computation_lowered:
.L_overlay_start_0:
0x88: {  	s2 =	sld [smem:$0x3FD9]  }
0x89: {  	s3 =	sld [smem:$0x3FFE];
	_ =	sdelay $0x1  }
0x8a: {  	s1 =	srdreg.scid  }
0x8b: {  	s0 =	sand.u32 $0x1, s1  }
0x8c: {  	s17 =	sshll.u32 s0, $0xA;
	s2 =	sadd.s32 s3, s2  }
0x8d: {  	s2 =	sadd.s32 s2, s17  }
0x8e: {  	[smem:$0x3FBD] =	sst s2  }
0x8f: {  	_ = 	snop  }
0x90: {  	s2 =	sld [smem:$0x3FD0];
	(tm) =	ssettm $0x1  }
0x91: {  	s18 =	sld [smem:$0x3FFB];
	_ =	sdelay $0x3  }
0x92: {  	_ =	strace s18  }
0x93: {  	s3 =	sld [smem:$0x3FFC];
	_ =	sdelay $0x3  }
0x94: {  	_ =	strace s3  }
0x95: {  	s3 =	sld [smem:$0x3FFD];
	_ =	sdelay $0x3  }
0x96: {  	_ =	strace s3  }
0x97: {  	_ =	strace $0x8FFFFFFF  }
0x98: {  	s19 =	sld [smem:$0x3FDB];
	_ =	sdelay $0x1  }
0x99: {  	s4 =	simm.s32 $_scs_section_size  }
0x9a: {  	s5 =	simm.s32 $_size__tile_overlayer_lowered;
	s6 =	simm.s32 $_tile_overlayer_lowered  }
0x9b: {  	s22 =	simm.s32 $0x1BFF;
	s21 =	sshll.u32 s6, $0x1;
	s3 =	sadd.s32 s4, s19  }
0x9c: {  	s7 =	simm.s32 $0x0;
	s20 =	sshll.u32 s5, $0x1;
	s5 =	sadd.s32 s21, s3  }
0x9d: {  	[timem:s7], [sflag:s22] =	dma.local [hbm:s5], s20  }
0x9e: {  	_ =	swait.ge [sflag:s22], s20  }
0x9f: {  	s4 =	ssub.s32 $0x0, s20;
	[sflag:s22] =	ssyncset.done $0x0  }
0xa0: {  	[sflag:s22] =	ssyncadd.s32 s4;
	_ =	sdelay $0x1  }
0xa1: {  	s23 =	simm.s32 $0x1B8B  }
0xa2: {  	_ =	swait.ge [sflag:s23], $0x1  }
0xa3: {  	[sflag:s23] =	ssyncset.done $0x0  }
0xa4: {  	s25 =	simm.s32 $0x1B8E;
	s24 =	sld [smem:$0x3FFE];
	[sflag:s23] =	ssyncadd.s32 $0xFFFFFFFF  }
0xa5: {  	s26 =	simm.s32 $execute0_lowered;
	[smem:$0x3FD2] =	sst s25  }
0xa6: {  	s5 =	sshll.u32 s26, $0x1;
	_ =	strace $0x80000046;
	[dreg:$0x1] =	wrdreg $0xFFFFFFFF  }
0xa7: {  	s28 =	simm.s32 $_size_execute0_lowered;
	s3 =	sadd.s32 s3, s5;
	[dreg:$0x0] =	wrdreg $0x0  }
0xa8: {  	s5 =	sshll.u32 s28, $0x1;
	[dreg:$0x2] =	wrdreg s3  }
0xa9: {  	[dreg:$0x3] =	wrdreg s5  }
0xaa: {  	[dreg:$0x4] =	wrdreg $0xC0  }
0xab: {  	_ =	task [dreg:s7], $0x5FFFF  }
0xac: {  	[dreg:$0x1] =	wrdreg $0xFFFFFFFF  }
0xad: {  	[dreg:$0x0] =	wrdreg $0x60  }
0xae: {  	[dreg:$0x2] =	wrdreg s24  }
0xaf: {  	[dreg:$0x3] =	wrdreg s2  }
0xb0: {  	[dreg:$0x4] =	wrdreg $0x50800  }
0xb1: {  	[dreg:$0x5] =	wrdreg $0x190800  }
0xb2: {  	[dreg:$0x6] =	wrdreg $0x9  }
0xb3: {  	_ =	task.clear_ibuf [dreg:s7], $0x7FFFF;
	_ =	strace $0x90000046  }
0xb4: {  	s29 =	simm.s32 $0x9;
	_ =	strace $0x80000048  }
0xb5: {  	_ =	swait.ge [sflag:s29], $0x1  }
0xb6: {  	[sflag:s29] =	ssyncadd.s32 $0xFFFFFFFF  }
0xb7: {  	_ =	strace $0x90000048  }
0xb8: {  	_ =	sfence  }
0xb9: {  	s30 =	sld [smem:$0x0];
	_ =	sdelay $0x2  }
0xba: {  	s31 =	sshll.u32 s1, $0xD;
	s1 =	sshrl.u32 s1, $0x2  }
0xbb: {  	s3 =	sand.u32 $0x4000, s31;
	s1 =	sadd.s32 s1, s30  }
0xbc: {  	s0 =	sor.u32 s3, s0;
	s1 =	sshll.u32 s1, $0x11  }
0xbd: {  	s0 =	sor.u32 s1, s0  }
0xbe: {  	s0 =	sadd.s32 $0x8F2B, s0  }
0xbf: {  	[sflag:s0] =	ssyncadd.remote.s32 $0x1  }
0xc0: {  	_ =	sfence.sel $0xFFFF  }
0xc1: {  	[dreg:$0x0] =	wrdreg $0xFFFFFFFF;
	(pc) =	sbr.abs _section_cstart, $3  }
0xc2: {  	[dreg:$0x1] =	wrdreg $0xFFFFFFFF  }
0xc3: {  	_ =	task.clear_ibuf [dreg:s7], $0x2FFFF;
	_ =	strace $0x9FFFFFFF  }
0xc4: {  	(tm) =	ssettm $0x7FFFFFFF  }
0xc5: {  	_ =	shalt  }
tec
execute0_lowered:
.L_overlay_start_1:
0x0: {  	(tag) =	ssettag $0x1  }
0x1: {  	s0 =	rddreg [dreg:$0x0]  }
0x2: {  	s6 =	rddreg [dreg:$0x1]  }
0x3: {  	s2 =	rddreg [dreg:$0x2]  }
0x4: {  	s3 =	rddreg [dreg:$0x3];
	s1 =	stileid.u32  }
0x5: {  	s4 =	simm.s32 $0x0;
	s9 =	srdreg.scid;
	s5 =	smul.u32 $0x4E000, s1  }
0x6: {  	s21 =	simm.s32 $0x2;
	s22 =	simm.s32 $0x80;
	s7 =	smul.u32 $0x9C0, s1  }
0x7: {  	s23 =	simm.s32 $0x1;
	s24 =	simm.s32 $0x20;
	s8 =	smul.u32 $0x14000, s1  }
0x8: {  	s25 =	simm.s32 $0x4080;
	[smem:$0x7FF] =	sst s4;
	s11 =	smul.u32 $0x5000, s1  }
0x9: {  	s16 =	sand.u32 $0x1, s9;
	p0 =	slt.u32 s1, $0x4;
	s30 =	smin.u32 s1, $0x4  }
0xa: {  	_ =	strace $0x80000047;
	s28 =	ssub.s32 $0x2, s16;
	s18 =	sshll.u32 s30, $0xB  }
0xb: {  	s10 =	sadd.s32 s5, s0;
	s17 =	sadd.s32 s7, s0;
	s26 =	sshrl.u32 s8, $0x3  }
0xc: {  	s29 =	sshrl.u32 s11, $0x3;
	s12 =	sshrl.u32 s28, $0x1;
	s5 =	sadd.s32 s8, s2  }
0xd: {  	s7 =	sadd.s32 s11, s3;
	s11 =	sshll.u32 s30, $0x4;
	s13 =	sadd.s32 s26, s0  }
0xe: {  	s14 =	sadd.s32 s29, s0;
	s15 =	ssub.s32 s28, s12;
	s6 =	sadd.s32 s6, s26  }
0xf: {  	s0 =	simm.s32 $0x9C;
	s10 =	sadd.s32 s18, s10;
	s11 =	sadd.s32 s11, s17  }
0x10: {  	s26 =	simm.s32 $0x0;
	s8 =	sadd.s32 $0x385800, s14;
	s9 =	sadd.s32 $0x2200, s13  }
.Ltmp0:
0x11: {  	s0 =	simm.s32 @!p0 $0x9B;
	s31 =	sadd.s32 $0x5C200, s13;
	(pc) =	sbr.rel .LBB2_1-.Ltmp0, $4  }
0x12: {  	s12 =	sadd.s32 $0x2A200, s14;
	s13 =	sadd.s32 $0x34200, s13;
	s14 =	smax.u32 s15, $0x1  }
0x13: {  	s15 =	sadd.s32 $0xD5D600, s10;
	p0 =	sne.s32 s16, $0x0;
	s16 =	sadd.s32 $0x87B600, s10  }
0x14: {  	s17 =	sadd.s32 $0x38F800, s11;
	s18 =	sadd.s32 $0x399600, s10;
	s11 =	sshll.u32 @p0 s1, $0x6  }
0x15: {  	[dreg:$0x5] =	wrdreg s31;
	s20 =	sshrl.u32 @p0 s5, $0x3;
	s19 =	sor.u32 @p0 $0x1C01, s11  }
.LBB2_9:
0x16: {  	s10 =	sshll.u32 s1, $0x6;
	[bflag:$0x0] =	sbarrier.arrive $0xFFFF  }
0x17: {  	s11 =	sshrl.u32 s5, $0x3;
	s10 =	sor.u32 $0x1C01, s10;
	s28 =	rddreg [dreg:$0x5]  }
0x18: {  	[hbm:s28], [sflag:s10] =	dma.local [spmem:s11], $0x2800  }
0x19: {  	_ =	swait.ge [sflag:s23], $0x2800  }
0x1a: {  	[sflag:s23] =	ssyncset.done $0x0  }
0x1b: {  	s31 =	sshrl.u32 s7, $0x3;
	[sflag:s23] =	ssyncadd.s32 $0xFFFFD800  }
0x1c: {  	[hbm:s12], [sflag:s10] =	dma.local [spmem:s31], $0xA00  }
0x1d: {  	_ =	swait.ge [sflag:s23], $0xA00  }
0x1e: {  	[sflag:s23] =	ssyncset.done $0x0  }
0x1f: {  	[sflag:s23] =	ssyncadd.s32 $0xFFFFF600  }
.LBB2_10:
0x20: {  	s26 =	sadd.s32 $0x1, s26  }
0x21: {  	p1 =	sne.s32 s26, s14  }
.Ltmp1:
0x22: {  	_ = 	snop;
	(pc) =	sbr.rel @!p1 .LBB2_11-.Ltmp1, $1  }
0x23: {  	_ =	sdelay $0x3  }
.LBB2_1:
0x24: {  	[spmem:s20], [sflag:s19] =	dma.local @p0 [hbm:s6], $0x2800  }
0x25: {  	s10 =	simm.s32 @p0 $0x1  }
0x26: {  	_ =	swait.ge @p0 [sflag:s10], $0x2800  }
0x27: {  	[sflag:s10] =	ssyncset.done @p0 $0x0  }
0x28: {  	s11 =	sshrl.u32 @p0 s7, $0x3;
	[sflag:s10] =	ssyncadd.s32 @p0 $0xFFFFD800  }
0x29: {  	[spmem:s11], [sflag:s19] =	dma.local @p0 [hbm:s8], $0xA00  }
0x2a: {  	_ =	swait.ge @p0 [sflag:s10], $0xA00  }
0x2b: {  	s11 =	sshll.u32 @!p0 s1, $0x6;
	[sflag:s10] =	ssyncset.done @p0 $0x0  }
0x2c: {  	[sflag:s10] =	ssyncadd.s32 @p0 $0xFFFFF600;
	s10 =	sor.u32 @!p0 $0x1C01, s11;
	s11 =	sshrl.u32 @!p0 s5, $0x3  }
0x2d: {  	[spmem:s11], [sflag:s10] =	dma.local @!p0 [hbm:s9], $0x2800  }
0x2e: {  	s10 =	simm.s32 @!p0 $0x1  }
.Ltmp2:
0x2f: {  	_ =	swait.ge @!p0 [sflag:s10], $0x2800;
	(pc) =	sbr.rel .LBB2_2-.Ltmp2, $4  }
0x30: {  	[sflag:s10] =	ssyncset.done @!p0 $0x0  }
0x31: {  	s28 =	smov.u32 s18;
	[sflag:s10] =	ssyncadd.s32 @!p0 $0xFFFFD800  }
0x32: {  	s29 =	smov.u32 s17;
	s30 =	smov.u32 s16;
	[bflag:$0x0] =	sbarrier.arrive $0xFFFF  }
0x33: {  	s31 =	smov.u32 s15;
	s11 =	simm.s32 $0x0;
	s10 =	smov.u32 s0  }
.LBB2_5:
0x34: {  	s10 =	sadd.s32 $0xFFFFFFFF, s10;
	s31 =	sadd.s32 $0x800, s31  }
0x35: {  	s30 =	sadd.s32 $0x800, s30;
	s29 =	sadd.s32 $0x10, s29;
	s28 =	sadd.s32 $0x800, s28  }
.LBB2_2:
.Ltmp3:
0x36: {  	(pc) =	sbr.rel @p0 .LBB2_6-.Ltmp3, $4  }
0x37: {  	[tilespmem:s4], [sflag:$0x2] =	stream.linear.gather [hbm4b:s29+s4], $0x80, $0x38;
	[tilespmem:$0x1E080] =	vst v63  }
0x38: {  	_ =	swait.ge [sflag:s21], $0x80  }
0x39: {  	[sflag:s21] =	ssyncset.done $0x0  }
0x3a: {  	[sflag:s21] =	ssyncadd.s32 $0xFFFFFF80  }
0x3b: {  	[tilespmem:s22], [sflag:$0x2] =	stream.linear.gather [hbm4b:s28+s4], $0x4000, $0x38;
	[tilespmem:$0x1E080] =	vst v63  }
0x3c: {  	_ =	swait.ge [sflag:s21], $0x4000  }
0x3d: {  	p1 =	seq.s32 s10, $0x0;
	[sflag:s21] =	ssyncset.done $0x0  }
.Ltmp4:
0x3e: {  	[sflag:s21] =	ssyncadd.s32 $0xFFFFC000;
	(pc) =	sbr.rel @p1 .LBB2_8-.Ltmp4, $4  }
0x3f: {  	[spmem:s2] =	stream.indirect.scatter.add.f32 [tilespmem:s22], [sflag:$0x2], $0x80, s4, s22, $0xb8;
	[tilespmem:$0x1E080] =	vst v63  }
0x40: {  	_ =	swait.ge [sflag:s21], $0x4000  }
0x41: {  	[sflag:s21] =	ssyncset.done $0x0  }
0x42: {  	[sflag:s21] =	ssyncadd.s32 $0xFFFFC000  }
.Ltmp5:
0x43: {  	(pc) =	sbr.rel .LBB2_5-.Ltmp5, $2  }
0x44: {  	_ =	sdelay $0x2  }
0x45: {  	s11 =	sadd.s32 $0x1, s11  }
.LBB2_6:
0x46: {  	[tilespmem:s22], [sflag:$0x2] =	stream.linear.gather [hbm4b:s30+s4], $0x4000, $0x38;
	[tilespmem:$0x1E080] =	vst v63  }
0x47: {  	_ =	swait.ge [sflag:s21], $0x4000  }
0x48: {  	[sflag:s21] =	ssyncset.done $0x0  }
0x49: {  	[sflag:s21] =	ssyncadd.s32 $0xFFFFC000  }
0x4a: {  	[tilespmem:s25], [sflag:$0x2] =	stream.strided.gather [hbm4b:s31+s24], $0x1000, s22, s24, $0x38;
	[tilespmem:$0x1E080] =	vst v63  }
0x4b: {  	_ =	swait.ge [sflag:s21], $0x1000  }
0x4c: {  	[sflag:s21] =	ssyncset.done $0x0  }
0x4d: {  	[sflag:s21] =	ssyncadd.s32 $0xFFFFF000  }
0x4e: {  	[spmem:s2] =	stream.indirect.scatter.add.f32 [tilespmem:s22], [sflag:$0x2], $0x80, s4, s22, $0xb8;
	[tilespmem:$0x1E080] =	vst v63  }
0x4f: {  	_ =	swait.ge [sflag:s21], $0x4000  }
0x50: {  	p1 =	seq.s32 s10, $0x0;
	[sflag:s21] =	ssyncset.done $0x0  }
.Ltmp6:
0x51: {  	[sflag:s21] =	ssyncadd.s32 $0xFFFFC000;
	(pc) =	sbr.rel @p1 .LBB2_9-.Ltmp6, $4  }
0x52: {  	[spmem:s3] =	stream.indirect.scatter.add.f32 [tilespmem:s25], [sflag:$0x1], $0x20, s4, s22, $0xb8;
	[tilespmem:$0x1E080] =	vst v63  }
0x53: {  	_ =	swait.ge [sflag:s23], $0x1000  }
0x54: {  	[sflag:s23] =	ssyncset.done $0x0  }
0x55: {  	[sflag:s23] =	ssyncadd.s32 $0xFFFFF000  }
.Ltmp7:
0x56: {  	(pc) =	sbr.rel .LBB2_5-.Ltmp7, $2  }
0x57: {  	_ =	sdelay $0x2  }
0x58: {  	s11 =	sadd.s32 $0x1, s11  }
.LBB2_8:
0x59: {  	s10 =	sshll.u32 s1, $0x6;
	[bflag:$0x0] =	sbarrier.arrive $0xFFFF  }
.Ltmp8:
0x5a: {  	s11 =	sshrl.u32 s5, $0x3;
	s10 =	sor.u32 $0x1C01, s10;
	(pc) =	sbr.rel .LBB2_10-.Ltmp8, $4  }
0x5b: {  	[hbm:s13], [sflag:s10] =	dma.local [spmem:s11], $0x2800  }
0x5c: {  	_ =	swait.ge [sflag:s23], $0x2800  }
0x5d: {  	[sflag:s23] =	ssyncset.done $0x0  }
0x5e: {  	[sflag:s23] =	ssyncadd.s32 $0xFFFFD800  }
.LBB2_11:
0x5f: {  	_ =	sfence.sel $0x180000  }
0x60: {  	[bflag:$0x0] =	sbarrier.arrive $0xFFFF  }
0x61: {  	_ =	strace $0x90000047  }
0x62: {  	[bflag:$0x2] =	sbarrier.arrive $0xFFFF  }
0x63: {  	p0 =	sne.s32 s1, $0x0;
	s0 =	rddreg [dreg:$0x4]  }
0x64: {  	s0 =	sadd.s32 @!p0 $0x100000, s0  }
0x65: {  	[sflag:s0] =	ssyncadd.tile.s32 @!p0 $0x1;
	_ =	shalt  }
.Lfunc_end2:
_tile_overlayer_lowered:
.L_overlay_start_2:
0x66: {  	(tag) =	ssettag $0x2  }
0x67: {  	s0 =	rddreg [dreg:$0x0];
	s2 =	stileid.u32  }
0x68: {  	s1 =	rddreg [dreg:$0x1];
	p0 =	sne.s32 s2, $0x0  }
0x69: {  	s3 =	rddreg [dreg:$0x2];
	[bflag:$0x3] =	sbarrier.arrive $0xFFFF;
	s2 =	simm.s32 @!p0 $0x1C01  }
0x6a: {  	[timem:s3], [sflag:s2] =	dma.local @!p0 [hbm:s0], s1  }
0x6b: {  	s0 =	simm.s32 @!p0 $0x1  }
0x6c: {  	_ =	swait.ge @!p0 [sflag:s0], s1  }
0x6d: {  	s1 =	ssub.s32 @!p0 $0x0, s1;
	[sflag:s0] =	ssyncset.done @!p0 $0x0  }
0x6e: {  	[sflag:s0] =	ssyncadd.s32 @!p0 s1  }
0x6f: {  	[bflag:$0x3] =	sbarrier.arrive $0xFFFF  }
0x70: {  	_ =	shalt  }

</sc_bundles>
